<compile_context>
chip_gen: v7x
topology: tpu7x:2x2x1
jax: 0.10.2.dev20260603
libtpu: 0.0.44.dev20260713+nightly
codegen_flags: <defaults>
</compile_context>

<pallas_src>
import functools

import jax
import jax.numpy as jnp
from jax import lax
from jax.experimental import pallas as pl
from jax.experimental.pallas import tpu as pltpu
from jax.experimental.pallas import tpu_sc as plsc

B, N = 32, 36864
BN = B * N
KBLK = N // 128
RPB = KBLK * 4
ROWS = B * RPB

TC_K = 144
TC_FRAC = TC_K * 4
GBLK = 2304


KSUB = TC_K // 2
BSUB = KSUB * 4
OBJ_BLK = 9216 // 8


def _bce_body(op_ref, gt_ref, bce_ref):
    i = pl.program_id(0)
    x = op_ref[...]
    tt = gt_ref[...]
    per = jnp.maximum(x, 0.0) - x * tt + jnp.log1p(jnp.exp(-jnp.abs(x)))

    @pl.when(i == 0)
    def _():
        bce_ref[...] = jnp.zeros_like(bce_ref)

    bce_ref[...] += jnp.broadcast_to(jnp.sum(per), (1, 1))


def _bce_sum(op4, gt4o):
    return pl.pallas_call(
        _bce_body,
        grid=(4,),
        in_specs=[
            pl.BlockSpec((GBLK, 128), lambda i: (i, 0)),
            pl.BlockSpec((GBLK, 128), lambda i: (i, 0)),
        ],
        out_specs=pl.BlockSpec((1, 1), lambda i: (0, 0)),
        out_shape=jax.ShapeDtypeStruct((1, 1), jnp.float32),
    )(op4, gt4o)


def _tc_body(gtm_ref, *refs):
    bp_refs = refs[:8]
    bg_refs = refs[8:16]
    box_ref = refs[16]
    bb = pl.program_id(0)
    t = pl.program_id(1)

    maskc = (gtm_ref[...] == 1.0).astype(jnp.float32)
    maskt = jnp.transpose(maskc.reshape(KSUB, 8, 128), (1, 0, 2))
    fk = jax.lax.broadcasted_iota(jnp.int32, (KSUB, BSUB), 0)
    fr = jax.lax.broadcasted_iota(jnp.int32, (KSUB, BSUB), 1)
    fold_m = (fr // 4 == fk).astype(jnp.float32)
    s_box = jnp.zeros((), jnp.float32)
    for j in range(8):
        d = bp_refs[j][...] - bg_refs[j][...]
        a = jnp.abs(d)
        c = jnp.minimum(a, 1.0)
        per2 = c * (a + a - c)
        folded = jax.lax.dot(fold_m, per2,
                             preferred_element_type=jnp.float32)
        s_box = s_box + jnp.sum(folded * maskt[j])

    @pl.when(jnp.logical_and(bb == 0, t == 0))
    def _():
        box_ref[...] = jnp.zeros_like(box_ref)

    box_ref[...] += jnp.broadcast_to(s_box, (1, 1))


def _tc_main(gt4o, bpv, bgv):
    bbox_specs = [
        pl.BlockSpec((BSUB, 128),
                     (lambda j: lambda bb, t: (4 * (8 * bb + j) + t, 0))(j))
        for j in range(8)
    ]
    return pl.pallas_call(
        _tc_body,
        grid=(4, 2),
        in_specs=[
            pl.BlockSpec((KSUB * 8, 128), lambda bb, t: (4 * bb + t, 0)),
        ] + bbox_specs + bbox_specs,
        out_specs=pl.BlockSpec((1, 1), lambda bb, t: (0, 0)),
        out_shape=jax.ShapeDtypeStruct((1, 1), jnp.float32),
    )(gt4o, *([bpv] * 8), *([bgv] * 8))


NW = 32
CHUNK_ROWS = 144
SC_ROWS = RPB - TC_FRAC
N_CHUNKS = SC_ROWS // CHUNK_ROWS
SC_K = KBLK - TC_K

_sc_mesh = plsc.VectorSubcoreMesh(core_axis_name="c", subcore_axis_name="s")


@functools.partial(
    pl.kernel,
    mesh=_sc_mesh,
    out_type=jax.ShapeDtypeStruct((NW, 16), jnp.float32),
    scratch_types=[
        pltpu.VMEM((SC_K, 128), jnp.float32),
        pltpu.VMEM((2, CHUNK_ROWS, 128), jnp.float32),
        pltpu.VMEM((2, CHUNK_ROWS, 128), jnp.float32),
        pltpu.VMEM((16,), jnp.float32),
        pltpu.SemaphoreType.DMA,
        pltpu.SemaphoreType.DMA,
        pltpu.SemaphoreType.DMA,
    ],
)
def _sc_bbox(bp_hbm, bg_hbm, gt4_hbm, gate_hbm, out_hbm,
             mask_v, bp_v, bg_v, acc_v, sem_m, sem_p, sem_g):
    del gate_hbm
    cid = lax.axis_index("c")
    sid = lax.axis_index("s")
    w = sid * 2 + cid
    bb = w // 8
    bi = w % 8

    pltpu.sync_copy(gt4_hbm.at[bb, pl.ds(TC_K, SC_K), bi, :], mask_v)

    row0 = w * RPB + TC_FRAC

    def chunk_start(step, buf):
        r = row0 + step * CHUNK_ROWS
        cp = pltpu.async_copy(bp_hbm.at[pl.ds(r, CHUNK_ROWS), :],
                              bp_v.at[buf], sem_p)
        cg = pltpu.async_copy(bg_hbm.at[pl.ds(r, CHUNK_ROWS), :],
                              bg_v.at[buf], sem_g)
        return cp, cg

    def chunk_sum(step, buf):
        k0 = step * (CHUNK_ROWS // 4)

        def kk_body(kk, acc):
            def a_body(ai, acc2):
                a0 = ai * 16
                m = mask_v[k0 + kk, pl.ds(a0, 16)]

                def c_body(cc, acc3):
                    r = kk * 4 + cc
                    p = bp_v[buf, r, pl.ds(a0, 16)]
                    g = bg_v[buf, r, pl.ds(a0, 16)]
                    d = p - g
                    a = jnp.abs(d)
                    cl = jnp.minimum(a, 1.0)
                    per2 = cl * (a + a - cl)
                    return acc3 + per2 * m

                return lax.fori_loop(0, 4, c_body, acc2)

            return lax.fori_loop(0, 8, a_body, acc)

        return lax.fori_loop(0, CHUNK_ROWS // 4, kk_body,
                             jnp.zeros((16,), jnp.float32))

    total = jnp.zeros((16,), jnp.float32)
    cp, cg = chunk_start(0, 0)
    for step in range(N_CHUNKS):
        cp.wait()
        cg.wait()
        if step + 1 < N_CHUNKS:
            cp, cg = chunk_start(step + 1, (step + 1) % 2)
        total = total + chunk_sum(step, step % 2)

    acc_v[...] = total
    pltpu.sync_copy(acc_v, out_hbm.at[w])


def _combine_body(lo_ref, lb_ref, bce_ref, btc_ref, part_ref,
                  o1_ref, o2_ref, o3_ref):
    o1 = lo_ref[...] * bce_ref[...] * (1.0 / BN)
    o2 = lb_ref[...] * 0.5 * (jnp.broadcast_to(jnp.sum(part_ref[...]), (1, 1))
                              + btc_ref[...])
    o1_ref[...] = o1
    o2_ref[...] = o2
    o3_ref[...] = o1 + o2


def _combine(lam_o, lam_b, bce, box_tc, parts):
    return pl.pallas_call(
        _combine_body,
        in_specs=[pl.BlockSpec((1, 1), lambda: (0, 0))] * 4
        + [pl.BlockSpec((NW, 16), lambda: (0, 0))],
        out_specs=[pl.BlockSpec((1, 1), lambda: (0, 0))] * 3,
        out_shape=[jax.ShapeDtypeStruct((1, 1), jnp.float32)] * 3,
    )(lam_o, lam_b, bce, box_tc, parts)


def kernel(objectness_pred, bbox_pred, objectness_gt, bbox_gt,
           lambda_rpn_objectness, lambda_rpn_bbox):
    bp_view = (bbox_pred.reshape(B, KBLK, 128, 4)
               .transpose(0, 1, 3, 2).reshape(ROWS, 128))
    bg_view = (bbox_gt.reshape(B, KBLK, 128, 4)
               .transpose(0, 1, 3, 2).reshape(ROWS, 128))
    gt4_view = (objectness_gt.reshape(4, 8, KBLK, 128)
                .transpose(0, 2, 1, 3))
    gt_obj = gt4_view.reshape(B * KBLK, 128)
    op_obj = (objectness_pred.reshape(4, 8, KBLK, 128)
              .transpose(0, 2, 1, 3).reshape(B * KBLK, 128))
    gt_obj = pltpu.with_memory_space_constraint(gt_obj, pltpu.MemorySpace.HBM)
    op_obj = pltpu.with_memory_space_constraint(op_obj, pltpu.MemorySpace.HBM)
    bp_view = pltpu.with_memory_space_constraint(bp_view, pltpu.MemorySpace.HBM)
    bg_view = pltpu.with_memory_space_constraint(bg_view, pltpu.MemorySpace.HBM)
    gt4_view = pltpu.with_memory_space_constraint(gt4_view,
                                                  pltpu.MemorySpace.HBM)

    bce = _bce_sum(op_obj, gt_obj)
    parts = _sc_bbox(bp_view, bg_view, gt4_view, bce)
    box_tc = _tc_main(gt_obj, bp_view, bg_view)
    lam_o = jnp.asarray(lambda_rpn_objectness, jnp.float32).reshape(1, 1)
    lam_b = jnp.asarray(lambda_rpn_bbox, jnp.float32).reshape(1, 1)
    o1, o2, o3 = _combine(lam_o, lam_b, bce, box_tc, parts)
    return (o1.reshape(()), o2.reshape(()), o3.reshape(()))

# --- scband reference (transcript-rebuilt; emitter-appended) ---
"""Pipeline reference for scband-rpnloss-7739531067410 (READ-ONLY COPY).

The authoritative reference and input builder live on the scoring server;
editing this copy changes nothing except your own understanding.
"""

import jax, jax.numpy as jnp
import numpy as np

B, N = 32, 36864

def setup_inputs(seed=0) -> dict:
    key = jax.random.key(seed)
    k1, k2, k3, k4 = jax.random.split(key, 4)
    objectness_pred = jax.random.normal(k1, (B, N), dtype=jnp.float32)
    bbox_pred = jax.random.normal(k2, (B, N, 4), dtype=jnp.float32)
    objectness_gt = jax.random.randint(k3, (B, N), 0, 2).astype(jnp.float32)
    bbox_gt = jax.random.normal(k4, (B, N, 4), dtype=jnp.float32)
    return {
        'objectness_pred': objectness_pred,
        'bbox_pred': bbox_pred,
        'objectness_gt': objectness_gt,
        'bbox_gt': bbox_gt,
        'lambda_rpn_objectness': jnp.asarray(1, dtype=jnp.float32),
        'lambda_rpn_bbox': jnp.asarray(10, dtype=jnp.float32),
    }


def _bce_with_logits_mean(logits, targets):
    # numerically stable binary_cross_entropy_with_logits, reduction='mean'
    per = jnp.maximum(logits, 0.0) - logits * targets + jnp.log1p(jnp.exp(-jnp.abs(logits)))
    return jnp.mean(per)


def _smooth_l1_sum_masked(pred, gt, mask):
    # smooth_l1_loss (beta=1), reduction='sum', only over foreground anchors (mask==1).
    # Equivalent to bbox_pred[objectness_gt == 1] filtering followed by sum reduction.
    d = pred - gt
    ad = jnp.abs(d)
    per = jnp.where(ad < 1.0, 0.5 * d * d, ad - 0.5)
    return jnp.sum(per * mask[..., None])


def reference(objectness_pred, bbox_pred, objectness_gt, bbox_gt,
              lambda_rpn_objectness=1, lambda_rpn_bbox=10):
    objectness_loss = _bce_with_logits_mean(objectness_pred, objectness_gt)
    mask = (objectness_gt == 1.0).astype(bbox_pred.dtype)
    bbox_loss = _smooth_l1_sum_masked(bbox_pred, bbox_gt, mask)
    rpn_objectness_loss = lambda_rpn_objectness * objectness_loss
    rpn_bbox_loss = lambda_rpn_bbox * bbox_loss
    rpn_total_loss = rpn_objectness_loss + rpn_bbox_loss
    # Original module returns a dict; emit as a tuple in the same order
    # ('rpn_objectness_loss', 'rpn_bbox_loss', 'rpn_total_loss').
    return (rpn_objectness_loss, rpn_bbox_loss, rpn_total_loss)

if __name__ == "__main__":
    import jax
    _d = setup_inputs()
    print(jax.jit(kernel)(*tuple(_d.values())))

</pallas_src>

<mosaic_0001>
#map = affine_map<(d0, d1) -> (0, 0)>
#map1 = affine_map<(d0, d1) -> (0, 0, 0, 0)>
module attributes {stable_mosaic.version = 14 : i64} {
  func.func @_sc_bbox(%arg0: i32, %arg1: i32, %arg2: memref<36864x128xf32, #tpu.memory_space<hbm>>, %arg3: memref<36864x128xf32, #tpu.memory_space<hbm>>, %arg4: memref<4x288x8x128xf32, #tpu.memory_space<hbm>>, %arg5: memref<1x1xf32, #tpu.memory_space<hbm>>, %arg6: memref<32x16xf32, #tpu.memory_space<hbm>>, %arg7: memref<144x128xf32, #tpu.memory_space<vmem>>, %arg8: memref<2x144x128xf32, #tpu.memory_space<vmem>>, %arg9: memref<2x144x128xf32, #tpu.memory_space<vmem>>, %arg10: memref<16xf32, #tpu.memory_space<vmem>>, %arg11: memref<!tpu.dma_semaphore, #tpu.memory_space<semaphore_mem>>, %arg12: memref<!tpu.dma_semaphore, #tpu.memory_space<semaphore_mem>>, %arg13: memref<!tpu.dma_semaphore, #tpu.memory_space<semaphore_mem>>) attributes {dimension_semantics = [#tpu.dimension_semantics<core_parallel>, #tpu.dimension_semantics<subcore_parallel>], iteration_bounds = array<i64: 2, 16>, scalar_prefetch = 0 : i64, scratch_operands = 7 : i64, tpu.core_type = #tpu.core_type<sc_vector_subcore>, window_params = [{transform_indices = #map}, {transform_indices = #map}, {transform_indices = #map1}, {transform_indices = #map}, {transform_indices = #map}]} {
    %mul3A = arith.constant 2 : i32
    %mul3A_0 = arith.muli %arg1, %mul3A : i32
    %add3A = arith.addi %mul3A_0, %arg0 : i32
    %jit3A = arith.constant 8 : i32
    %div3A = arith.divsi %add3A, %jit3A : i32
    %sign3A = arith.constant 0 : i32
    %sign3A_1 = arith.cmpi sgt, %add3A, %sign3A : i32
    %sign3A_2 = arith.extui %sign3A_1 : i1 to i32
    %sign3A_3 = arith.constant 0 : i32
    %sign3A_4 = arith.cmpi slt, %add3A, %sign3A_3 : i32
    %sign3A_5 = arith.extui %sign3A_4 : i1 to i32
    %sign3A_6 = arith.subi %sign3A_2, %sign3A_5 : i32
    %sign3A_7 = arith.constant 0 : i32
    %sign3A_8 = arith.cmpi sgt, %jit3A, %sign3A_7 : i32
    %sign3A_9 = arith.extui %sign3A_8 : i1 to i32
    %sign3A_10 = arith.constant 0 : i32
    %sign3A_11 = arith.cmpi slt, %jit3A, %sign3A_10 : i32
    %sign3A_12 = arith.extui %sign3A_11 : i1 to i32
    %sign3A_13 = arith.subi %sign3A_9, %sign3A_12 : i32
    %ne3A = arith.cmpi ne, %sign3A_6, %sign3A_13 : i32
    %rem3A = arith.remsi %add3A, %jit3A : i32
    %ne3A_14 = arith.constant 0 : i32
    %ne3A_15 = arith.cmpi ne, %rem3A, %ne3A_14 : i32
    %and3A = arith.andi %ne3A, %ne3A_15 : i1
    %sub3A = arith.constant 1 : i32
    %sub3A_16 = arith.subi %div3A, %sub3A : i32
    %select_n3A = arith.select %and3A, %sub3A_16, %div3A : i32
    %jit3A_17 = arith.constant 8 : i32
    %eq3A = arith.constant 0 : i32
    %eq3A_18 = arith.cmpi eq, %jit3A_17, %eq3A : i32
    %jit3A_19 = arith.constant 1 : i32
    %select_n3A_20 = arith.select %eq3A_18, %jit3A_19, %jit3A_17 : i32
    %rem3A_21 = arith.remsi %add3A, %select_n3A_20 : i32
    %ne3A_22 = arith.constant 0 : i32
    %ne3A_23 = arith.cmpi ne, %rem3A_21, %ne3A_22 : i32
    %lt3A = arith.constant 0 : i32
    %lt3A_24 = arith.cmpi slt, %rem3A_21, %lt3A : i32
    %lt3A_25 = arith.constant 0 : i32
    %lt3A_26 = arith.cmpi slt, %select_n3A_20, %lt3A_25 : i32
    %ne3A_27 = arith.xori %lt3A_24, %lt3A_26 : i1
    %and3A_28 = arith.andi %ne3A_27, %ne3A_23 : i1
    %add3A_29 = arith.addi %rem3A_21, %select_n3A_20 : i32
    %select_n3A_30 = arith.select %and3A_28, %add3A_29, %rem3A_21 : i32
    "tpu.region"() ({
      %run_scoped3A = tpu.sem_alloc : memref<!tpu.dma_semaphore, #tpu.memory_space<semaphore_mem>>
      %dma_start3A_288 = arith.constant 144 : i32
      %dma_start3A_289 = arith.constant 0 : i32
      %dma_start3A_290 = tpu.memref_slice %arg4[%select_n3A, %dma_start3A_288, %select_n3A_30, %dma_start3A_289] : memref<4x288x8x128xf32, #tpu.memory_space<hbm>> -> memref<1x144x1x128xf32, #tpu.memory_space<hbm>>
      %dma_start3A_291 = tpu.memref_squeeze %dma_start3A_290 : memref<1x144x1x128xf32, #tpu.memory_space<hbm>> -> memref<144x128xf32, #tpu.memory_space<hbm>>
      %dma_start3A_292 = arith.constant 144 : i32
      %dma_start3A_293 = arith.constant 0 : i32
      %dma_start3A_294 = tpu.memref_slice %arg4[%select_n3A, %dma_start3A_292, %select_n3A_30, %dma_start3A_293] : memref<4x288x8x128xf32, #tpu.memory_space<hbm>> -> memref<1x144x1x128xf32, #tpu.memory_space<hbm>>
      %dma_start3A_295 = tpu.memref_squeeze %dma_start3A_294 : memref<1x144x1x128xf32, #tpu.memory_space<hbm>> -> memref<144x128xf32, #tpu.memory_space<hbm>>
      tpu.enqueue_dma source(%dma_start3A_295 : memref<144x128xf32, #tpu.memory_space<hbm>>) target(%arg7 : memref<144x128xf32, #tpu.memory_space<vmem>>) target_semaphore(%run_scoped3A : memref<!tpu.dma_semaphore, #tpu.memory_space<semaphore_mem>>)
      %dma_wait3A_296 = arith.constant 144 : i32
      %dma_wait3A_297 = arith.constant 0 : i32
      %dma_wait3A_298 = tpu.memref_slice %arg4[%select_n3A, %dma_wait3A_296, %select_n3A_30, %dma_wait3A_297] : memref<4x288x8x128xf32, #tpu.memory_space<hbm>> -> memref<1x144x1x128xf32, #tpu.memory_space<hbm>>
      %dma_wait3A_299 = tpu.memref_squeeze %dma_wait3A_298 : memref<1x144x1x128xf32, #tpu.memory_space<hbm>> -> memref<144x128xf32, #tpu.memory_space<hbm>>
      %dma_wait3A_300 = arith.constant 144 : i32
      %dma_wait3A_301 = arith.constant 0 : i32
      %dma_wait3A_302 = tpu.memref_slice %arg4[%select_n3A, %dma_wait3A_300, %select_n3A_30, %dma_wait3A_301] : memref<4x288x8x128xf32, #tpu.memory_space<hbm>> -> memref<1x144x1x128xf32, #tpu.memory_space<hbm>>
      %dma_wait3A_303 = tpu.memref_squeeze %dma_wait3A_302 : memref<1x144x1x128xf32, #tpu.memory_space<hbm>> -> memref<144x128xf32, #tpu.memory_space<hbm>>
      tpu.wait_dma2 semaphore(%run_scoped3A : memref<!tpu.dma_semaphore, #tpu.memory_space<semaphore_mem>>) src(%dma_wait3A_303 : memref<144x128xf32, #tpu.memory_space<hbm>>) dst(%arg7 : memref<144x128xf32, #tpu.memory_space<vmem>>)
      tpu.yield
    }) : () -> ()
    %mul3A_31 = arith.constant 1152 : i32
    %mul3A_32 = arith.muli %add3A, %mul3A_31 : i32
    %add3A_33 = arith.constant 576 : i32
    %add3A_34 = arith.addi %mul3A_32, %add3A_33 : i32
    %broadcast_in_dim3A = arith.constant 0.000000e+00 : f32
    %broadcast_in_dim3A_35 = vector.broadcast %broadcast_in_dim3A : f32 to vector<16xf32>
    %add3A_36 = arith.constant 0 : i32
    %add3A_37 = arith.addi %add3A_34, %add3A_36 : i32
    %dma_start3A = arith.constant 0 : i32
    %dma_start3A_38 = arith.constant 0 : i32
    %dma_start3A_39 = arith.constant 0 : i32
    %dma_start3A_40 = tpu.memref_slice %arg8[%dma_start3A, %dma_start3A_38, %dma_start3A_39] : memref<2x144x128xf32, #tpu.memory_space<vmem>> -> memref<1x144x128xf32, #tpu.memory_space<vmem>>
    %dma_start3A_41 = tpu.memref_squeeze %dma_start3A_40 : memref<1x144x128xf32, #tpu.memory_space<vmem>> -> memref<144x128xf32, #tpu.memory_space<vmem>>
    %dma_start3A_42 = arith.constant 0 : i32
    %dma_start3A_43 = tpu.memref_slice %arg2[%add3A_37, %dma_start3A_42] : memref<36864x128xf32, #tpu.memory_space<hbm>> -> memref<144x128xf32, #tpu.memory_space<hbm>>
    %dma_start3A_44 = arith.constant 0 : i32
    %dma_start3A_45 = arith.constant 0 : i32
    %dma_start3A_46 = tpu.memref_slice %arg8[%dma_start3A, %dma_start3A_44, %dma_start3A_45] : memref<2x144x128xf32, #tpu.memory_space<vmem>> -> memref<1x144x128xf32, #tpu.memory_space<vmem>>
    %dma_start3A_47 = tpu.memref_squeeze %dma_start3A_46 : memref<1x144x128xf32, #tpu.memory_space<vmem>> -> memref<144x128xf32, #tpu.memory_space<vmem>>
    %dma_start3A_48 = arith.constant 0 : i32
    %dma_start3A_49 = tpu.memref_slice %arg2[%add3A_37, %dma_start3A_48] : memref<36864x128xf32, #tpu.memory_space<hbm>> -> memref<144x128xf32, #tpu.memory_space<hbm>>
    tpu.enqueue_dma source(%dma_start3A_49 : memref<144x128xf32, #tpu.memory_space<hbm>>) target(%dma_start3A_47 : memref<144x128xf32, #tpu.memory_space<vmem>>) target_semaphore(%arg12 : memref<!tpu.dma_semaphore, #tpu.memory_space<semaphore_mem>>)
    %dma_start3A_50 = arith.constant 0 : i32
    %dma_start3A_51 = arith.constant 0 : i32
    %dma_start3A_52 = arith.constant 0 : i32
    %dma_start3A_53 = tpu.memref_slice %arg9[%dma_start3A_50, %dma_start3A_51, %dma_start3A_52] : memref<2x144x128xf32, #tpu.memory_space<vmem>> -> memref<1x144x128xf32, #tpu.memory_space<vmem>>
    %dma_start3A_54 = tpu.memref_squeeze %dma_start3A_53 : memref<1x144x128xf32, #tpu.memory_space<vmem>> -> memref<144x128xf32, #tpu.memory_space<vmem>>
    %dma_start3A_55 = arith.constant 0 : i32
    %dma_start3A_56 = tpu.memref_slice %arg3[%add3A_37, %dma_start3A_55] : memref<36864x128xf32, #tpu.memory_space<hbm>> -> memref<144x128xf32, #tpu.memory_space<hbm>>
    %dma_start3A_57 = arith.constant 0 : i32
    %dma_start3A_58 = arith.constant 0 : i32
    %dma_start3A_59 = tpu.memref_slice %arg9[%dma_start3A_50, %dma_start3A_57, %dma_start3A_58] : memref<2x144x128xf32, #tpu.memory_space<vmem>> -> memref<1x144x128xf32, #tpu.memory_space<vmem>>
    %dma_start3A_60 = tpu.memref_squeeze %dma_start3A_59 : memref<1x144x128xf32, #tpu.memory_space<vmem>> -> memref<144x128xf32, #tpu.memory_space<vmem>>
    %dma_start3A_61 = arith.constant 0 : i32
    %dma_start3A_62 = tpu.memref_slice %arg3[%add3A_37, %dma_start3A_61] : memref<36864x128xf32, #tpu.memory_space<hbm>> -> memref<144x128xf32, #tpu.memory_space<hbm>>
    tpu.enqueue_dma source(%dma_start3A_62 : memref<144x128xf32, #tpu.memory_space<hbm>>) target(%dma_start3A_60 : memref<144x128xf32, #tpu.memory_space<vmem>>) target_semaphore(%arg13 : memref<!tpu.dma_semaphore, #tpu.memory_space<semaphore_mem>>)
    %dma_wait3A = arith.constant 0 : i32
    %dma_wait3A_63 = arith.constant 0 : i32
    %dma_wait3A_64 = arith.constant 0 : i32
    %dma_wait3A_65 = tpu.memref_slice %arg8[%dma_wait3A, %dma_wait3A_63, %dma_wait3A_64] : memref<2x144x128xf32, #tpu.memory_space<vmem>> -> memref<1x144x128xf32, #tpu.memory_space<vmem>>
    %dma_wait3A_66 = tpu.memref_squeeze %dma_wait3A_65 : memref<1x144x128xf32, #tpu.memory_space<vmem>> -> memref<144x128xf32, #tpu.memory_space<vmem>>
    %dma_wait3A_67 = arith.constant 0 : i32
    %dma_wait3A_68 = tpu.memref_slice %arg2[%add3A_37, %dma_wait3A_67] : memref<36864x128xf32, #tpu.memory_space<hbm>> -> memref<144x128xf32, #tpu.memory_space<hbm>>
    %dma_wait3A_69 = arith.constant 0 : i32
    %dma_wait3A_70 = arith.constant 0 : i32
    %dma_wait3A_71 = tpu.memref_slice %arg8[%dma_wait3A, %dma_wait3A_69, %dma_wait3A_70] : memref<2x144x128xf32, #tpu.memory_space<vmem>> -> memref<1x144x128xf32, #tpu.memory_space<vmem>>
    %dma_wait3A_72 = tpu.memref_squeeze %dma_wait3A_71 : memref<1x144x128xf32, #tpu.memory_space<vmem>> -> memref<144x128xf32, #tpu.memory_space<vmem>>
    %dma_wait3A_73 = arith.constant 0 : i32
    %dma_wait3A_74 = tpu.memref_slice %arg2[%add3A_37, %dma_wait3A_73] : memref<36864x128xf32, #tpu.memory_space<hbm>> -> memref<144x128xf32, #tpu.memory_space<hbm>>
    tpu.wait_dma2 semaphore(%arg12 : memref<!tpu.dma_semaphore, #tpu.memory_space<semaphore_mem>>) src(%dma_wait3A_74 : memref<144x128xf32, #tpu.memory_space<hbm>>) dst(%dma_wait3A_72 : memref<144x128xf32, #tpu.memory_space<vmem>>)
    %dma_wait3A_75 = arith.constant 0 : i32
    %dma_wait3A_76 = arith.constant 0 : i32
    %dma_wait3A_77 = arith.constant 0 : i32
    %dma_wait3A_78 = tpu.memref_slice %arg9[%dma_wait3A_75, %dma_wait3A_76, %dma_wait3A_77] : memref<2x144x128xf32, #tpu.memory_space<vmem>> -> memref<1x144x128xf32, #tpu.memory_space<vmem>>
    %dma_wait3A_79 = tpu.memref_squeeze %dma_wait3A_78 : memref<1x144x128xf32, #tpu.memory_space<vmem>> -> memref<144x128xf32, #tpu.memory_space<vmem>>
    %dma_wait3A_80 = arith.constant 0 : i32
    %dma_wait3A_81 = tpu.memref_slice %arg3[%add3A_37, %dma_wait3A_80] : memref<36864x128xf32, #tpu.memory_space<hbm>> -> memref<144x128xf32, #tpu.memory_space<hbm>>
    %dma_wait3A_82 = arith.constant 0 : i32
    %dma_wait3A_83 = arith.constant 0 : i32
    %dma_wait3A_84 = tpu.memref_slice %arg9[%dma_wait3A_75, %dma_wait3A_82, %dma_wait3A_83] : memref<2x144x128xf32, #tpu.memory_space<vmem>> -> memref<1x144x128xf32, #tpu.memory_space<vmem>>
    %dma_wait3A_85 = tpu.memref_squeeze %dma_wait3A_84 : memref<1x144x128xf32, #tpu.memory_space<vmem>> -> memref<144x128xf32, #tpu.memory_space<vmem>>
    %dma_wait3A_86 = arith.constant 0 : i32
    %dma_wait3A_87 = tpu.memref_slice %arg3[%add3A_37, %dma_wait3A_86] : memref<36864x128xf32, #tpu.memory_space<hbm>> -> memref<144x128xf32, #tpu.memory_space<hbm>>
    tpu.wait_dma2 semaphore(%arg13 : memref<!tpu.dma_semaphore, #tpu.memory_space<semaphore_mem>>) src(%dma_wait3A_87 : memref<144x128xf32, #tpu.memory_space<hbm>>) dst(%dma_wait3A_85 : memref<144x128xf32, #tpu.memory_space<vmem>>)
    %add3A_88 = arith.constant 144 : i32
    %add3A_89 = arith.addi %add3A_34, %add3A_88 : i32
    %dma_start3A_90 = arith.constant 1 : i32
    %dma_start3A_91 = arith.constant 0 : i32
    %dma_start3A_92 = arith.constant 0 : i32
    %dma_start3A_93 = tpu.memref_slice %arg8[%dma_start3A_90, %dma_start3A_91, %dma_start3A_92] : memref<2x144x128xf32, #tpu.memory_space<vmem>> -> memref<1x144x128xf32, #tpu.memory_space<vmem>>
    %dma_start3A_94 = tpu.memref_squeeze %dma_start3A_93 : memref<1x144x128xf32, #tpu.memory_space<vmem>> -> memref<144x128xf32, #tpu.memory_space<vmem>>
    %dma_start3A_95 = arith.constant 0 : i32
    %dma_start3A_96 = tpu.memref_slice %arg2[%add3A_89, %dma_start3A_95] : memref<36864x128xf32, #tpu.memory_space<hbm>> -> memref<144x128xf32, #tpu.memory_space<hbm>>
    %dma_start3A_97 = arith.constant 0 : i32
    %dma_start3A_98 = arith.constant 0 : i32
    %dma_start3A_99 = tpu.memref_slice %arg8[%dma_start3A_90, %dma_start3A_97, %dma_start3A_98] : memref<2x144x128xf32, #tpu.memory_space<vmem>> -> memref<1x144x128xf32, #tpu.memory_space<vmem>>
    %dma_start3A_100 = tpu.memref_squeeze %dma_start3A_99 : memref<1x144x128xf32, #tpu.memory_space<vmem>> -> memref<144x128xf32, #tpu.memory_space<vmem>>
    %dma_start3A_101 = arith.constant 0 : i32
    %dma_start3A_102 = tpu.memref_slice %arg2[%add3A_89, %dma_start3A_101] : memref<36864x128xf32, #tpu.memory_space<hbm>> -> memref<144x128xf32, #tpu.memory_space<hbm>>
    tpu.enqueue_dma source(%dma_start3A_102 : memref<144x128xf32, #tpu.memory_space<hbm>>) target(%dma_start3A_100 : memref<144x128xf32, #tpu.memory_space<vmem>>) target_semaphore(%arg12 : memref<!tpu.dma_semaphore, #tpu.memory_space<semaphore_mem>>)
    %dma_start3A_103 = arith.constant 1 : i32
    %dma_start3A_104 = arith.constant 0 : i32
    %dma_start3A_105 = arith.constant 0 : i32
    %dma_start3A_106 = tpu.memref_slice %arg9[%dma_start3A_103, %dma_start3A_104, %dma_start3A_105] : memref<2x144x128xf32, #tpu.memory_space<vmem>> -> memref<1x144x128xf32, #tpu.memory_space<vmem>>
    %dma_start3A_107 = tpu.memref_squeeze %dma_start3A_106 : memref<1x144x128xf32, #tpu.memory_space<vmem>> -> memref<144x128xf32, #tpu.memory_space<vmem>>
    %dma_start3A_108 = arith.constant 0 : i32
    %dma_start3A_109 = tpu.memref_slice %arg3[%add3A_89, %dma_start3A_108] : memref<36864x128xf32, #tpu.memory_space<hbm>> -> memref<144x128xf32, #tpu.memory_space<hbm>>
    %dma_start3A_110 = arith.constant 0 : i32
    %dma_start3A_111 = arith.constant 0 : i32
    %dma_start3A_112 = tpu.memref_slice %arg9[%dma_start3A_103, %dma_start3A_110, %dma_start3A_111] : memref<2x144x128xf32, #tpu.memory_space<vmem>> -> memref<1x144x128xf32, #tpu.memory_space<vmem>>
    %dma_start3A_113 = tpu.memref_squeeze %dma_start3A_112 : memref<1x144x128xf32, #tpu.memory_space<vmem>> -> memref<144x128xf32, #tpu.memory_space<vmem>>
    %dma_start3A_114 = arith.constant 0 : i32
    %dma_start3A_115 = tpu.memref_slice %arg3[%add3A_89, %dma_start3A_114] : memref<36864x128xf32, #tpu.memory_space<hbm>> -> memref<144x128xf32, #tpu.memory_space<hbm>>
    tpu.enqueue_dma source(%dma_start3A_115 : memref<144x128xf32, #tpu.memory_space<hbm>>) target(%dma_start3A_113 : memref<144x128xf32, #tpu.memory_space<vmem>>) target_semaphore(%arg13 : memref<!tpu.dma_semaphore, #tpu.memory_space<semaphore_mem>>)
    %broadcast_in_dim3A_116 = arith.constant 0.000000e+00 : f32
    %broadcast_in_dim3A_117 = vector.broadcast %broadcast_in_dim3A_116 : f32 to vector<16xf32>
    %scan3A = arith.constant 0 : i32
    %scan3A_118 = arith.constant 36 : i32
    %scan3A_119 = arith.addi %scan3A, %scan3A_118 : i32
    %scan3A_120 = arith.constant 1 : i32
    %scan3A_121 = scf.for %scan3A_288 = %scan3A to %scan3A_119 step %scan3A_120 iter_args(%scan3A_289 = %broadcast_in_dim3A_117) -> (vector<16xf32>)  : i32 {
      %scan3A_290 = arith.constant 0 : i32
      %scan3A_291 = arith.constant 8 : i32
      %scan3A_292 = arith.addi %scan3A_290, %scan3A_291 : i32
      %scan3A_293 = arith.constant 1 : i32
      %scan3A_294 = scf.for %scan3A_296 = %scan3A_290 to %scan3A_292 step %scan3A_293 iter_args(%scan3A_297 = %scan3A_289) -> (vector<16xf32>)  : i32 {
        %mul3A_298 = arith.constant 16 : i32
        %mul3A_299 = arith.muli %scan3A_296, %mul3A_298 : i32
        %add3A_300 = arith.constant 0 : i32
        %add3A_301 = arith.addi %add3A_300, %scan3A_288 : i32
        %get3A = arith.index_cast %add3A_301 : i32 to index
        %get3A_302 = arith.index_cast %mul3A_299 : i32 to index
        %get3A_303 = tpu.vector_load %arg7[%get3A, %get3A_302] {strides = array<i32>} : memref<144x128xf32, #tpu.memory_space<vmem>>, vector<1x16xf32>,
        %get3A_304 = vector.shape_cast %get3A_303 : vector<1x16xf32> to vector<16xf32>
        %scan3A_305 = arith.constant 0 : i32
        %scan3A_306 = arith.constant 4 : i32
        %scan3A_307 = arith.addi %scan3A_305, %scan3A_306 : i32
        %scan3A_308 = arith.constant 1 : i32
        %scan3A_309 = scf.for %scan3A_311 = %scan3A_305 to %scan3A_307 step %scan3A_308 iter_args(%scan3A_312 = %scan3A_297) -> (vector<16xf32>)  : i32 {
          %mul3A_313 = arith.constant 4 : i32
          %mul3A_314 = arith.muli %scan3A_288, %mul3A_313 : i32
          %add3A_315 = arith.addi %mul3A_314, %scan3A_311 : i32
          %get3A_316 = arith.constant 0 : i32
          %get3A_317 = arith.index_cast %get3A_316 : i32 to index
          %get3A_318 = arith.index_cast %add3A_315 : i32 to index
          %get3A_319 = arith.index_cast %mul3A_299 : i32 to index
          %get3A_320 = tpu.vector_load %arg8[%get3A_317, %get3A_318, %get3A_319] {strides = array<i32>} : memref<2x144x128xf32, #tpu.memory_space<vmem>>, vector<1x1x16xf32>,
          %get3A_321 = vector.shape_cast %get3A_320 : vector<1x1x16xf32> to vector<16xf32>
          %get3A_322 = arith.constant 0 : i32
          %get3A_323 = arith.index_cast %get3A_322 : i32 to index
          %get3A_324 = arith.index_cast %add3A_315 : i32 to index
          %get3A_325 = arith.index_cast %mul3A_299 : i32 to index
          %get3A_326 = tpu.vector_load %arg9[%get3A_323, %get3A_324, %get3A_325] {strides = array<i32>} : memref<2x144x128xf32, #tpu.memory_space<vmem>>, vector<1x1x16xf32>,
          %get3A_327 = vector.shape_cast %get3A_326 : vector<1x1x16xf32> to vector<16xf32>
          %sub3A_328 = arith.subf %get3A_321, %get3A_327 : vector<16xf32>
          %abs3A = math.absf %sub3A_328 : vector<16xf32>
          %min3A = arith.constant 1.000000e+00 : f32
          %min3A_329 = vector.broadcast %min3A : f32 to vector<16xf32>
          %min3A_330 = arith.minimumf %abs3A, %min3A_329 : vector<16xf32>
          %add3A_331 = arith.addf %abs3A, %abs3A : vector<16xf32>
          %sub3A_332 = arith.subf %add3A_331, %min3A_330 : vector<16xf32>
          %mul3A_333 = arith.mulf %min3A_330, %sub3A_332 : vector<16xf32>
          %mul3A_334 = arith.mulf %mul3A_333, %get3A_304 : vector<16xf32>
          %add3A_335 = arith.addf %scan3A_312, %mul3A_334 : vector<16xf32>
          scf.yield %add3A_335 : vector<16xf32>
        }
        %scan3A_310 = arith.constant 4 : i32
        scf.yield %scan3A_309 : vector<16xf32>
      }
      %scan3A_295 = arith.constant 8 : i32
      scf.yield %scan3A_294 : vector<16xf32>
    }
    %scan3A_122 = arith.constant 36 : i32
    %add3A_123 = arith.addf %broadcast_in_dim3A_35, %scan3A_121 : vector<16xf32>
    %dma_wait3A_124 = arith.constant 1 : i32
    %dma_wait3A_125 = arith.constant 0 : i32
    %dma_wait3A_126 = arith.constant 0 : i32
    %dma_wait3A_127 = tpu.memref_slice %arg8[%dma_wait3A_124, %dma_wait3A_125, %dma_wait3A_126] : memref<2x144x128xf32, #tpu.memory_space<vmem>> -> memref<1x144x128xf32, #tpu.memory_space<vmem>>
    %dma_wait3A_128 = tpu.memref_squeeze %dma_wait3A_127 : memref<1x144x128xf32, #tpu.memory_space<vmem>> -> memref<144x128xf32, #tpu.memory_space<vmem>>
    %dma_wait3A_129 = arith.constant 0 : i32
    %dma_wait3A_130 = tpu.memref_slice %arg2[%add3A_89, %dma_wait3A_129] : memref<36864x128xf32, #tpu.memory_space<hbm>> -> memref<144x128xf32, #tpu.memory_space<hbm>>
    %dma_wait3A_131 = arith.constant 0 : i32
    %dma_wait3A_132 = arith.constant 0 : i32
    %dma_wait3A_133 = tpu.memref_slice %arg8[%dma_wait3A_124, %dma_wait3A_131, %dma_wait3A_132] : memref<2x144x128xf32, #tpu.memory_space<vmem>> -> memref<1x144x128xf32, #tpu.memory_space<vmem>>
    %dma_wait3A_134 = tpu.memref_squeeze %dma_wait3A_133 : memref<1x144x128xf32, #tpu.memory_space<vmem>> -> memref<144x128xf32, #tpu.memory_space<vmem>>
    %dma_wait3A_135 = arith.constant 0 : i32
    %dma_wait3A_136 = tpu.memref_slice %arg2[%add3A_89, %dma_wait3A_135] : memref<36864x128xf32, #tpu.memory_space<hbm>> -> memref<144x128xf32, #tpu.memory_space<hbm>>
    tpu.wait_dma2 semaphore(%arg12 : memref<!tpu.dma_semaphore, #tpu.memory_space<semaphore_mem>>) src(%dma_wait3A_136 : memref<144x128xf32, #tpu.memory_space<hbm>>) dst(%dma_wait3A_134 : memref<144x128xf32, #tpu.memory_space<vmem>>)
    %dma_wait3A_137 = arith.constant 1 : i32
    %dma_wait3A_138 = arith.constant 0 : i32
    %dma_wait3A_139 = arith.constant 0 : i32
    %dma_wait3A_140 = tpu.memref_slice %arg9[%dma_wait3A_137, %dma_wait3A_138, %dma_wait3A_139] : memref<2x144x128xf32, #tpu.memory_space<vmem>> -> memref<1x144x128xf32, #tpu.memory_space<vmem>>
    %dma_wait3A_141 = tpu.memref_squeeze %dma_wait3A_140 : memref<1x144x128xf32, #tpu.memory_space<vmem>> -> memref<144x128xf32, #tpu.memory_space<vmem>>
    %dma_wait3A_142 = arith.constant 0 : i32
    %dma_wait3A_143 = tpu.memref_slice %arg3[%add3A_89, %dma_wait3A_142] : memref<36864x128xf32, #tpu.memory_space<hbm>> -> memref<144x128xf32, #tpu.memory_space<hbm>>
    %dma_wait3A_144 = arith.constant 0 : i32
    %dma_wait3A_145 = arith.constant 0 : i32
    %dma_wait3A_146 = tpu.memref_slice %arg9[%dma_wait3A_137, %dma_wait3A_144, %dma_wait3A_145] : memref<2x144x128xf32, #tpu.memory_space<vmem>> -> memref<1x144x128xf32, #tpu.memory_space<vmem>>
    %dma_wait3A_147 = tpu.memref_squeeze %dma_wait3A_146 : memref<1x144x128xf32, #tpu.memory_space<vmem>> -> memref<144x128xf32, #tpu.memory_space<vmem>>
    %dma_wait3A_148 = arith.constant 0 : i32
    %dma_wait3A_149 = tpu.memref_slice %arg3[%add3A_89, %dma_wait3A_148] : memref<36864x128xf32, #tpu.memory_space<hbm>> -> memref<144x128xf32, #tpu.memory_space<hbm>>
    tpu.wait_dma2 semaphore(%arg13 : memref<!tpu.dma_semaphore, #tpu.memory_space<semaphore_mem>>) src(%dma_wait3A_149 : memref<144x128xf32, #tpu.memory_space<hbm>>) dst(%dma_wait3A_147 : memref<144x128xf32, #tpu.memory_space<vmem>>)
    %add3A_150 = arith.constant 288 : i32
    %add3A_151 = arith.addi %add3A_34, %add3A_150 : i32
    %dma_start3A_152 = arith.constant 0 : i32
    %dma_start3A_153 = arith.constant 0 : i32
    %dma_start3A_154 = arith.constant 0 : i32
    %dma_start3A_155 = tpu.memref_slice %arg8[%dma_start3A_152, %dma_start3A_153, %dma_start3A_154] : memref<2x144x128xf32, #tpu.memory_space<vmem>> -> memref<1x144x128xf32, #tpu.memory_space<vmem>>
    %dma_start3A_156 = tpu.memref_squeeze %dma_start3A_155 : memref<1x144x128xf32, #tpu.memory_space<vmem>> -> memref<144x128xf32, #tpu.memory_space<vmem>>
    %dma_start3A_157 = arith.constant 0 : i32
    %dma_start3A_158 = tpu.memref_slice %arg2[%add3A_151, %dma_start3A_157] : memref<36864x128xf32, #tpu.memory_space<hbm>> -> memref<144x128xf32, #tpu.memory_space<hbm>>
    %dma_start3A_159 = arith.constant 0 : i32
    %dma_start3A_160 = arith.constant 0 : i32
    %dma_start3A_161 = tpu.memref_slice %arg8[%dma_start3A_152, %dma_start3A_159, %dma_start3A_160] : memref<2x144x128xf32, #tpu.memory_space<vmem>> -> memref<1x144x128xf32, #tpu.memory_space<vmem>>
    %dma_start3A_162 = tpu.memref_squeeze %dma_start3A_161 : memref<1x144x128xf32, #tpu.memory_space<vmem>> -> memref<144x128xf32, #tpu.memory_space<vmem>>
    %dma_start3A_163 = arith.constant 0 : i32
    %dma_start3A_164 = tpu.memref_slice %arg2[%add3A_151, %dma_start3A_163] : memref<36864x128xf32, #tpu.memory_space<hbm>> -> memref<144x128xf32, #tpu.memory_space<hbm>>
    tpu.enqueue_dma source(%dma_start3A_164 : memref<144x128xf32, #tpu.memory_space<hbm>>) target(%dma_start3A_162 : memref<144x128xf32, #tpu.memory_space<vmem>>) target_semaphore(%arg12 : memref<!tpu.dma_semaphore, #tpu.memory_space<semaphore_mem>>)
    %dma_start3A_165 = arith.constant 0 : i32
    %dma_start3A_166 = arith.constant 0 : i32
    %dma_start3A_167 = arith.constant 0 : i32
    %dma_start3A_168 = tpu.memref_slice %arg9[%dma_start3A_165, %dma_start3A_166, %dma_start3A_167] : memref<2x144x128xf32, #tpu.memory_space<vmem>> -> memref<1x144x128xf32, #tpu.memory_space<vmem>>
    %dma_start3A_169 = tpu.memref_squeeze %dma_start3A_168 : memref<1x144x128xf32, #tpu.memory_space<vmem>> -> memref<144x128xf32, #tpu.memory_space<vmem>>
    %dma_start3A_170 = arith.constant 0 : i32
    %dma_start3A_171 = tpu.memref_slice %arg3[%add3A_151, %dma_start3A_170] : memref<36864x128xf32, #tpu.memory_space<hbm>> -> memref<144x128xf32, #tpu.memory_space<hbm>>
    %dma_start3A_172 = arith.constant 0 : i32
    %dma_start3A_173 = arith.constant 0 : i32
    %dma_start3A_174 = tpu.memref_slice %arg9[%dma_start3A_165, %dma_start3A_172, %dma_start3A_173] : memref<2x144x128xf32, #tpu.memory_space<vmem>> -> memref<1x144x128xf32, #tpu.memory_space<vmem>>
    %dma_start3A_175 = tpu.memref_squeeze %dma_start3A_174 : memref<1x144x128xf32, #tpu.memory_space<vmem>> -> memref<144x128xf32, #tpu.memory_space<vmem>>
    %dma_start3A_176 = arith.constant 0 : i32
    %dma_start3A_177 = tpu.memref_slice %arg3[%add3A_151, %dma_start3A_176] : memref<36864x128xf32, #tpu.memory_space<hbm>> -> memref<144x128xf32, #tpu.memory_space<hbm>>
    tpu.enqueue_dma source(%dma_start3A_177 : memref<144x128xf32, #tpu.memory_space<hbm>>) target(%dma_start3A_175 : memref<144x128xf32, #tpu.memory_space<vmem>>) target_semaphore(%arg13 : memref<!tpu.dma_semaphore, #tpu.memory_space<semaphore_mem>>)
    %broadcast_in_dim3A_178 = arith.constant 0.000000e+00 : f32
    %broadcast_in_dim3A_179 = vector.broadcast %broadcast_in_dim3A_178 : f32 to vector<16xf32>
    %scan3A_180 = arith.constant 0 : i32
    %scan3A_181 = arith.constant 36 : i32
    %scan3A_182 = arith.addi %scan3A_180, %scan3A_181 : i32
    %scan3A_183 = arith.constant 1 : i32
    %scan3A_184 = scf.for %scan3A_288 = %scan3A_180 to %scan3A_182 step %scan3A_183 iter_args(%scan3A_289 = %broadcast_in_dim3A_179) -> (vector<16xf32>)  : i32 {
      %scan3A_290 = arith.constant 0 : i32
      %scan3A_291 = arith.constant 8 : i32
      %scan3A_292 = arith.addi %scan3A_290, %scan3A_291 : i32
      %scan3A_293 = arith.constant 1 : i32
      %scan3A_294 = scf.for %scan3A_296 = %scan3A_290 to %scan3A_292 step %scan3A_293 iter_args(%scan3A_297 = %scan3A_289) -> (vector<16xf32>)  : i32 {
        %mul3A_298 = arith.constant 16 : i32
        %mul3A_299 = arith.muli %scan3A_296, %mul3A_298 : i32
        %add3A_300 = arith.constant 36 : i32
        %add3A_301 = arith.addi %add3A_300, %scan3A_288 : i32
        %get3A = arith.index_cast %add3A_301 : i32 to index
        %get3A_302 = arith.index_cast %mul3A_299 : i32 to index
        %get3A_303 = tpu.vector_load %arg7[%get3A, %get3A_302] {strides = array<i32>} : memref<144x128xf32, #tpu.memory_space<vmem>>, vector<1x16xf32>,
        %get3A_304 = vector.shape_cast %get3A_303 : vector<1x16xf32> to vector<16xf32>
        %scan3A_305 = arith.constant 0 : i32
        %scan3A_306 = arith.constant 4 : i32
        %scan3A_307 = arith.addi %scan3A_305, %scan3A_306 : i32
        %scan3A_308 = arith.constant 1 : i32
        %scan3A_309 = scf.for %scan3A_311 = %scan3A_305 to %scan3A_307 step %scan3A_308 iter_args(%scan3A_312 = %scan3A_297) -> (vector<16xf32>)  : i32 {
          %mul3A_313 = arith.constant 4 : i32
          %mul3A_314 = arith.muli %scan3A_288, %mul3A_313 : i32
          %add3A_315 = arith.addi %mul3A_314, %scan3A_311 : i32
          %get3A_316 = arith.constant 1 : i32
          %get3A_317 = arith.index_cast %get3A_316 : i32 to index
          %get3A_318 = arith.index_cast %add3A_315 : i32 to index
          %get3A_319 = arith.index_cast %mul3A_299 : i32 to index
          %get3A_320 = tpu.vector_load %arg8[%get3A_317, %get3A_318, %get3A_319] {strides = array<i32>} : memref<2x144x128xf32, #tpu.memory_space<vmem>>, vector<1x1x16xf32>,
          %get3A_321 = vector.shape_cast %get3A_320 : vector<1x1x16xf32> to vector<16xf32>
          %get3A_322 = arith.constant 1 : i32
          %get3A_323 = arith.index_cast %get3A_322 : i32 to index
          %get3A_324 = arith.index_cast %add3A_315 : i32 to index
          %get3A_325 = arith.index_cast %mul3A_299 : i32 to index
          %get3A_326 = tpu.vector_load %arg9[%get3A_323, %get3A_324, %get3A_325] {strides = array<i32>} : memref<2x144x128xf32, #tpu.memory_space<vmem>>, vector<1x1x16xf32>,
          %get3A_327 = vector.shape_cast %get3A_326 : vector<1x1x16xf32> to vector<16xf32>
          %sub3A_328 = arith.subf %get3A_321, %get3A_327 : vector<16xf32>
          %abs3A = math.absf %sub3A_328 : vector<16xf32>
          %min3A = arith.constant 1.000000e+00 : f32
          %min3A_329 = vector.broadcast %min3A : f32 to vector<16xf32>
          %min3A_330 = arith.minimumf %abs3A, %min3A_329 : vector<16xf32>
          %add3A_331 = arith.addf %abs3A, %abs3A : vector<16xf32>
          %sub3A_332 = arith.subf %add3A_331, %min3A_330 : vector<16xf32>
          %mul3A_333 = arith.mulf %min3A_330, %sub3A_332 : vector<16xf32>
          %mul3A_334 = arith.mulf %mul3A_333, %get3A_304 : vector<16xf32>
          %add3A_335 = arith.addf %scan3A_312, %mul3A_334 : vector<16xf32>
          scf.yield %add3A_335 : vector<16xf32>
        }
        %scan3A_310 = arith.constant 4 : i32
        scf.yield %scan3A_309 : vector<16xf32>
      }
      %scan3A_295 = arith.constant 8 : i32
      scf.yield %scan3A_294 : vector<16xf32>
    }
    %scan3A_185 = arith.constant 36 : i32
    %add3A_186 = arith.addf %add3A_123, %scan3A_184 : vector<16xf32>
    %dma_wait3A_187 = arith.constant 0 : i32
    %dma_wait3A_188 = arith.constant 0 : i32
    %dma_wait3A_189 = arith.constant 0 : i32
    %dma_wait3A_190 = tpu.memref_slice %arg8[%dma_wait3A_187, %dma_wait3A_188, %dma_wait3A_189] : memref<2x144x128xf32, #tpu.memory_space<vmem>> -> memref<1x144x128xf32, #tpu.memory_space<vmem>>
    %dma_wait3A_191 = tpu.memref_squeeze %dma_wait3A_190 : memref<1x144x128xf32, #tpu.memory_space<vmem>> -> memref<144x128xf32, #tpu.memory_space<vmem>>
    %dma_wait3A_192 = arith.constant 0 : i32
    %dma_wait3A_193 = tpu.memref_slice %arg2[%add3A_151, %dma_wait3A_192] : memref<36864x128xf32, #tpu.memory_space<hbm>> -> memref<144x128xf32, #tpu.memory_space<hbm>>
    %dma_wait3A_194 = arith.constant 0 : i32
    %dma_wait3A_195 = arith.constant 0 : i32
    %dma_wait3A_196 = tpu.memref_slice %arg8[%dma_wait3A_187, %dma_wait3A_194, %dma_wait3A_195] : memref<2x144x128xf32, #tpu.memory_space<vmem>> -> memref<1x144x128xf32, #tpu.memory_space<vmem>>
    %dma_wait3A_197 = tpu.memref_squeeze %dma_wait3A_196 : memref<1x144x128xf32, #tpu.memory_space<vmem>> -> memref<144x128xf32, #tpu.memory_space<vmem>>
    %dma_wait3A_198 = arith.constant 0 : i32
    %dma_wait3A_199 = tpu.memref_slice %arg2[%add3A_151, %dma_wait3A_198] : memref<36864x128xf32, #tpu.memory_space<hbm>> -> memref<144x128xf32, #tpu.memory_space<hbm>>
    tpu.wait_dma2 semaphore(%arg12 : memref<!tpu.dma_semaphore, #tpu.memory_space<semaphore_mem>>) src(%dma_wait3A_199 : memref<144x128xf32, #tpu.memory_space<hbm>>) dst(%dma_wait3A_197 : memref<144x128xf32, #tpu.memory_space<vmem>>)
    %dma_wait3A_200 = arith.constant 0 : i32
    %dma_wait3A_201 = arith.constant 0 : i32
    %dma_wait3A_202 = arith.constant 0 : i32
    %dma_wait3A_203 = tpu.memref_slice %arg9[%dma_wait3A_200, %dma_wait3A_201, %dma_wait3A_202] : memref<2x144x128xf32, #tpu.memory_space<vmem>> -> memref<1x144x128xf32, #tpu.memory_space<vmem>>
    %dma_wait3A_204 = tpu.memref_squeeze %dma_wait3A_203 : memref<1x144x128xf32, #tpu.memory_space<vmem>> -> memref<144x128xf32, #tpu.memory_space<vmem>>
    %dma_wait3A_205 = arith.constant 0 : i32
    %dma_wait3A_206 = tpu.memref_slice %arg3[%add3A_151, %dma_wait3A_205] : memref<36864x128xf32, #tpu.memory_space<hbm>> -> memref<144x128xf32, #tpu.memory_space<hbm>>
    %dma_wait3A_207 = arith.constant 0 : i32
    %dma_wait3A_208 = arith.constant 0 : i32
    %dma_wait3A_209 = tpu.memref_slice %arg9[%dma_wait3A_200, %dma_wait3A_207, %dma_wait3A_208] : memref<2x144x128xf32, #tpu.memory_space<vmem>> -> memref<1x144x128xf32, #tpu.memory_space<vmem>>
    %dma_wait3A_210 = tpu.memref_squeeze %dma_wait3A_209 : memref<1x144x128xf32, #tpu.memory_space<vmem>> -> memref<144x128xf32, #tpu.memory_space<vmem>>
    %dma_wait3A_211 = arith.constant 0 : i32
    %dma_wait3A_212 = tpu.memref_slice %arg3[%add3A_151, %dma_wait3A_211] : memref<36864x128xf32, #tpu.memory_space<hbm>> -> memref<144x128xf32, #tpu.memory_space<hbm>>
    tpu.wait_dma2 semaphore(%arg13 : memref<!tpu.dma_semaphore, #tpu.memory_space<semaphore_mem>>) src(%dma_wait3A_212 : memref<144x128xf32, #tpu.memory_space<hbm>>) dst(%dma_wait3A_210 : memref<144x128xf32, #tpu.memory_space<vmem>>)
    %add3A_213 = arith.constant 432 : i32
    %add3A_214 = arith.addi %add3A_34, %add3A_213 : i32
    %dma_start3A_215 = arith.constant 1 : i32
    %dma_start3A_216 = arith.constant 0 : i32
    %dma_start3A_217 = arith.constant 0 : i32
    %dma_start3A_218 = tpu.memref_slice %arg8[%dma_start3A_215, %dma_start3A_216, %dma_start3A_217] : memref<2x144x128xf32, #tpu.memory_space<vmem>> -> memref<1x144x128xf32, #tpu.memory_space<vmem>>
    %dma_start3A_219 = tpu.memref_squeeze %dma_start3A_218 : memref<1x144x128xf32, #tpu.memory_space<vmem>> -> memref<144x128xf32, #tpu.memory_space<vmem>>
    %dma_start3A_220 = arith.constant 0 : i32
    %dma_start3A_221 = tpu.memref_slice %arg2[%add3A_214, %dma_start3A_220] : memref<36864x128xf32, #tpu.memory_space<hbm>> -> memref<144x128xf32, #tpu.memory_space<hbm>>
    %dma_start3A_222 = arith.constant 0 : i32
    %dma_start3A_223 = arith.constant 0 : i32
    %dma_start3A_224 = tpu.memref_slice %arg8[%dma_start3A_215, %dma_start3A_222, %dma_start3A_223] : memref<2x144x128xf32, #tpu.memory_space<vmem>> -> memref<1x144x128xf32, #tpu.memory_space<vmem>>
    %dma_start3A_225 = tpu.memref_squeeze %dma_start3A_224 : memref<1x144x128xf32, #tpu.memory_space<vmem>> -> memref<144x128xf32, #tpu.memory_space<vmem>>
    %dma_start3A_226 = arith.constant 0 : i32
    %dma_start3A_227 = tpu.memref_slice %arg2[%add3A_214, %dma_start3A_226] : memref<36864x128xf32, #tpu.memory_space<hbm>> -> memref<144x128xf32, #tpu.memory_space<hbm>>
    tpu.enqueue_dma source(%dma_start3A_227 : memref<144x128xf32, #tpu.memory_space<hbm>>) target(%dma_start3A_225 : memref<144x128xf32, #tpu.memory_space<vmem>>) target_semaphore(%arg12 : memref<!tpu.dma_semaphore, #tpu.memory_space<semaphore_mem>>)
    %dma_start3A_228 = arith.constant 1 : i32
    %dma_start3A_229 = arith.constant 0 : i32
    %dma_start3A_230 = arith.constant 0 : i32
    %dma_start3A_231 = tpu.memref_slice %arg9[%dma_start3A_228, %dma_start3A_229, %dma_start3A_230] : memref<2x144x128xf32, #tpu.memory_space<vmem>> -> memref<1x144x128xf32, #tpu.memory_space<vmem>>
    %dma_start3A_232 = tpu.memref_squeeze %dma_start3A_231 : memref<1x144x128xf32, #tpu.memory_space<vmem>> -> memref<144x128xf32, #tpu.memory_space<vmem>>
    %dma_start3A_233 = arith.constant 0 : i32
    %dma_start3A_234 = tpu.memref_slice %arg3[%add3A_214, %dma_start3A_233] : memref<36864x128xf32, #tpu.memory_space<hbm>> -> memref<144x128xf32, #tpu.memory_space<hbm>>
    %dma_start3A_235 = arith.constant 0 : i32
    %dma_start3A_236 = arith.constant 0 : i32
    %dma_start3A_237 = tpu.memref_slice %arg9[%dma_start3A_228, %dma_start3A_235, %dma_start3A_236] : memref<2x144x128xf32, #tpu.memory_space<vmem>> -> memref<1x144x128xf32, #tpu.memory_space<vmem>>
    %dma_start3A_238 = tpu.memref_squeeze %dma_start3A_237 : memref<1x144x128xf32, #tpu.memory_space<vmem>> -> memref<144x128xf32, #tpu.memory_space<vmem>>
    %dma_start3A_239 = arith.constant 0 : i32
    %dma_start3A_240 = tpu.memref_slice %arg3[%add3A_214, %dma_start3A_239] : memref<36864x128xf32, #tpu.memory_space<hbm>> -> memref<144x128xf32, #tpu.memory_space<hbm>>
    tpu.enqueue_dma source(%dma_start3A_240 : memref<144x128xf32, #tpu.memory_space<hbm>>) target(%dma_start3A_238 : memref<144x128xf32, #tpu.memory_space<vmem>>) target_semaphore(%arg13 : memref<!tpu.dma_semaphore, #tpu.memory_space<semaphore_mem>>)
    %broadcast_in_dim3A_241 = arith.constant 0.000000e+00 : f32
    %broadcast_in_dim3A_242 = vector.broadcast %broadcast_in_dim3A_241 : f32 to vector<16xf32>
    %scan3A_243 = arith.constant 0 : i32
    %scan3A_244 = arith.constant 36 : i32
    %scan3A_245 = arith.addi %scan3A_243, %scan3A_244 : i32
    %scan3A_246 = arith.constant 1 : i32
    %scan3A_247 = scf.for %scan3A_288 = %scan3A_243 to %scan3A_245 step %scan3A_246 iter_args(%scan3A_289 = %broadcast_in_dim3A_242) -> (vector<16xf32>)  : i32 {
      %scan3A_290 = arith.constant 0 : i32
      %scan3A_291 = arith.constant 8 : i32
      %scan3A_292 = arith.addi %scan3A_290, %scan3A_291 : i32
      %scan3A_293 = arith.constant 1 : i32
      %scan3A_294 = scf.for %scan3A_296 = %scan3A_290 to %scan3A_292 step %scan3A_293 iter_args(%scan3A_297 = %scan3A_289) -> (vector<16xf32>)  : i32 {
        %mul3A_298 = arith.constant 16 : i32
        %mul3A_299 = arith.muli %scan3A_296, %mul3A_298 : i32
        %add3A_300 = arith.constant 72 : i32
        %add3A_301 = arith.addi %add3A_300, %scan3A_288 : i32
        %get3A = arith.index_cast %add3A_301 : i32 to index
        %get3A_302 = arith.index_cast %mul3A_299 : i32 to index
        %get3A_303 = tpu.vector_load %arg7[%get3A, %get3A_302] {strides = array<i32>} : memref<144x128xf32, #tpu.memory_space<vmem>>, vector<1x16xf32>,
        %get3A_304 = vector.shape_cast %get3A_303 : vector<1x16xf32> to vector<16xf32>
        %scan3A_305 = arith.constant 0 : i32
        %scan3A_306 = arith.constant 4 : i32
        %scan3A_307 = arith.addi %scan3A_305, %scan3A_306 : i32
        %scan3A_308 = arith.constant 1 : i32
        %scan3A_309 = scf.for %scan3A_311 = %scan3A_305 to %scan3A_307 step %scan3A_308 iter_args(%scan3A_312 = %scan3A_297) -> (vector<16xf32>)  : i32 {
          %mul3A_313 = arith.constant 4 : i32
          %mul3A_314 = arith.muli %scan3A_288, %mul3A_313 : i32
          %add3A_315 = arith.addi %mul3A_314, %scan3A_311 : i32
          %get3A_316 = arith.constant 0 : i32
          %get3A_317 = arith.index_cast %get3A_316 : i32 to index
          %get3A_318 = arith.index_cast %add3A_315 : i32 to index
          %get3A_319 = arith.index_cast %mul3A_299 : i32 to index
          %get3A_320 = tpu.vector_load %arg8[%get3A_317, %get3A_318, %get3A_319] {strides = array<i32>} : memref<2x144x128xf32, #tpu.memory_space<vmem>>, vector<1x1x16xf32>,
          %get3A_321 = vector.shape_cast %get3A_320 : vector<1x1x16xf32> to vector<16xf32>
          %get3A_322 = arith.constant 0 : i32
          %get3A_323 = arith.index_cast %get3A_322 : i32 to index
          %get3A_324 = arith.index_cast %add3A_315 : i32 to index
          %get3A_325 = arith.index_cast %mul3A_299 : i32 to index
          %get3A_326 = tpu.vector_load %arg9[%get3A_323, %get3A_324, %get3A_325] {strides = array<i32>} : memref<2x144x128xf32, #tpu.memory_space<vmem>>, vector<1x1x16xf32>,
          %get3A_327 = vector.shape_cast %get3A_326 : vector<1x1x16xf32> to vector<16xf32>
          %sub3A_328 = arith.subf %get3A_321, %get3A_327 : vector<16xf32>
          %abs3A = math.absf %sub3A_328 : vector<16xf32>
          %min3A = arith.constant 1.000000e+00 : f32
          %min3A_329 = vector.broadcast %min3A : f32 to vector<16xf32>
          %min3A_330 = arith.minimumf %abs3A, %min3A_329 : vector<16xf32>
          %add3A_331 = arith.addf %abs3A, %abs3A : vector<16xf32>
          %sub3A_332 = arith.subf %add3A_331, %min3A_330 : vector<16xf32>
          %mul3A_333 = arith.mulf %min3A_330, %sub3A_332 : vector<16xf32>
          %mul3A_334 = arith.mulf %mul3A_333, %get3A_304 : vector<16xf32>
          %add3A_335 = arith.addf %scan3A_312, %mul3A_334 : vector<16xf32>
          scf.yield %add3A_335 : vector<16xf32>
        }
        %scan3A_310 = arith.constant 4 : i32
        scf.yield %scan3A_309 : vector<16xf32>
      }
      %scan3A_295 = arith.constant 8 : i32
      scf.yield %scan3A_294 : vector<16xf32>
    }
    %scan3A_248 = arith.constant 36 : i32
    %add3A_249 = arith.addf %add3A_186, %scan3A_247 : vector<16xf32>
    %dma_wait3A_250 = arith.constant 1 : i32
    %dma_wait3A_251 = arith.constant 0 : i32
    %dma_wait3A_252 = arith.constant 0 : i32
    %dma_wait3A_253 = tpu.memref_slice %arg8[%dma_wait3A_250, %dma_wait3A_251, %dma_wait3A_252] : memref<2x144x128xf32, #tpu.memory_space<vmem>> -> memref<1x144x128xf32, #tpu.memory_space<vmem>>
    %dma_wait3A_254 = tpu.memref_squeeze %dma_wait3A_253 : memref<1x144x128xf32, #tpu.memory_space<vmem>> -> memref<144x128xf32, #tpu.memory_space<vmem>>
    %dma_wait3A_255 = arith.constant 0 : i32
    %dma_wait3A_256 = tpu.memref_slice %arg2[%add3A_214, %dma_wait3A_255] : memref<36864x128xf32, #tpu.memory_space<hbm>> -> memref<144x128xf32, #tpu.memory_space<hbm>>
    %dma_wait3A_257 = arith.constant 0 : i32
    %dma_wait3A_258 = arith.constant 0 : i32
    %dma_wait3A_259 = tpu.memref_slice %arg8[%dma_wait3A_250, %dma_wait3A_257, %dma_wait3A_258] : memref<2x144x128xf32, #tpu.memory_space<vmem>> -> memref<1x144x128xf32, #tpu.memory_space<vmem>>
    %dma_wait3A_260 = tpu.memref_squeeze %dma_wait3A_259 : memref<1x144x128xf32, #tpu.memory_space<vmem>> -> memref<144x128xf32, #tpu.memory_space<vmem>>
    %dma_wait3A_261 = arith.constant 0 : i32
    %dma_wait3A_262 = tpu.memref_slice %arg2[%add3A_214, %dma_wait3A_261] : memref<36864x128xf32, #tpu.memory_space<hbm>> -> memref<144x128xf32, #tpu.memory_space<hbm>>
    tpu.wait_dma2 semaphore(%arg12 : memref<!tpu.dma_semaphore, #tpu.memory_space<semaphore_mem>>) src(%dma_wait3A_262 : memref<144x128xf32, #tpu.memory_space<hbm>>) dst(%dma_wait3A_260 : memref<144x128xf32, #tpu.memory_space<vmem>>)
    %dma_wait3A_263 = arith.constant 1 : i32
    %dma_wait3A_264 = arith.constant 0 : i32
    %dma_wait3A_265 = arith.constant 0 : i32
    %dma_wait3A_266 = tpu.memref_slice %arg9[%dma_wait3A_263, %dma_wait3A_264, %dma_wait3A_265] : memref<2x144x128xf32, #tpu.memory_space<vmem>> -> memref<1x144x128xf32, #tpu.memory_space<vmem>>
    %dma_wait3A_267 = tpu.memref_squeeze %dma_wait3A_266 : memref<1x144x128xf32, #tpu.memory_space<vmem>> -> memref<144x128xf32, #tpu.memory_space<vmem>>
    %dma_wait3A_268 = arith.constant 0 : i32
    %dma_wait3A_269 = tpu.memref_slice %arg3[%add3A_214, %dma_wait3A_268] : memref<36864x128xf32, #tpu.memory_space<hbm>> -> memref<144x128xf32, #tpu.memory_space<hbm>>
    %dma_wait3A_270 = arith.constant 0 : i32
    %dma_wait3A_271 = arith.constant 0 : i32
    %dma_wait3A_272 = tpu.memref_slice %arg9[%dma_wait3A_263, %dma_wait3A_270, %dma_wait3A_271] : memref<2x144x128xf32, #tpu.memory_space<vmem>> -> memref<1x144x128xf32, #tpu.memory_space<vmem>>
    %dma_wait3A_273 = tpu.memref_squeeze %dma_wait3A_272 : memref<1x144x128xf32, #tpu.memory_space<vmem>> -> memref<144x128xf32, #tpu.memory_space<vmem>>
    %dma_wait3A_274 = arith.constant 0 : i32
    %dma_wait3A_275 = tpu.memref_slice %arg3[%add3A_214, %dma_wait3A_274] : memref<36864x128xf32, #tpu.memory_space<hbm>> -> memref<144x128xf32, #tpu.memory_space<hbm>>
    tpu.wait_dma2 semaphore(%arg13 : memref<!tpu.dma_semaphore, #tpu.memory_space<semaphore_mem>>) src(%dma_wait3A_275 : memref<144x128xf32, #tpu.memory_space<hbm>>) dst(%dma_wait3A_273 : memref<144x128xf32, #tpu.memory_space<vmem>>)
    %broadcast_in_dim3A_276 = arith.constant 0.000000e+00 : f32
    %broadcast_in_dim3A_277 = vector.broadcast %broadcast_in_dim3A_276 : f32 to vector<16xf32>
    %scan3A_278 = arith.constant 0 : i32
    %scan3A_279 = arith.constant 36 : i32
    %scan3A_280 = arith.addi %scan3A_278, %scan3A_279 : i32
    %scan3A_281 = arith.constant 1 : i32
    %scan3A_282 = scf.for %scan3A_288 = %scan3A_278 to %scan3A_280 step %scan3A_281 iter_args(%scan3A_289 = %broadcast_in_dim3A_277) -> (vector<16xf32>)  : i32 {
      %scan3A_290 = arith.constant 0 : i32
      %scan3A_291 = arith.constant 8 : i32
      %scan3A_292 = arith.addi %scan3A_290, %scan3A_291 : i32
      %scan3A_293 = arith.constant 1 : i32
      %scan3A_294 = scf.for %scan3A_296 = %scan3A_290 to %scan3A_292 step %scan3A_293 iter_args(%scan3A_297 = %scan3A_289) -> (vector<16xf32>)  : i32 {
        %mul3A_298 = arith.constant 16 : i32
        %mul3A_299 = arith.muli %scan3A_296, %mul3A_298 : i32
        %add3A_300 = arith.constant 108 : i32
        %add3A_301 = arith.addi %add3A_300, %scan3A_288 : i32
        %get3A = arith.index_cast %add3A_301 : i32 to index
        %get3A_302 = arith.index_cast %mul3A_299 : i32 to index
        %get3A_303 = tpu.vector_load %arg7[%get3A, %get3A_302] {strides = array<i32>} : memref<144x128xf32, #tpu.memory_space<vmem>>, vector<1x16xf32>,
        %get3A_304 = vector.shape_cast %get3A_303 : vector<1x16xf32> to vector<16xf32>
        %scan3A_305 = arith.constant 0 : i32
        %scan3A_306 = arith.constant 4 : i32
        %scan3A_307 = arith.addi %scan3A_305, %scan3A_306 : i32
        %scan3A_308 = arith.constant 1 : i32
        %scan3A_309 = scf.for %scan3A_311 = %scan3A_305 to %scan3A_307 step %scan3A_308 iter_args(%scan3A_312 = %scan3A_297) -> (vector<16xf32>)  : i32 {
          %mul3A_313 = arith.constant 4 : i32
          %mul3A_314 = arith.muli %scan3A_288, %mul3A_313 : i32
          %add3A_315 = arith.addi %mul3A_314, %scan3A_311 : i32
          %get3A_316 = arith.constant 1 : i32
          %get3A_317 = arith.index_cast %get3A_316 : i32 to index
          %get3A_318 = arith.index_cast %add3A_315 : i32 to index
          %get3A_319 = arith.index_cast %mul3A_299 : i32 to index
          %get3A_320 = tpu.vector_load %arg8[%get3A_317, %get3A_318, %get3A_319] {strides = array<i32>} : memref<2x144x128xf32, #tpu.memory_space<vmem>>, vector<1x1x16xf32>,
          %get3A_321 = vector.shape_cast %get3A_320 : vector<1x1x16xf32> to vector<16xf32>
          %get3A_322 = arith.constant 1 : i32
          %get3A_323 = arith.index_cast %get3A_322 : i32 to index
          %get3A_324 = arith.index_cast %add3A_315 : i32 to index
          %get3A_325 = arith.index_cast %mul3A_299 : i32 to index
          %get3A_326 = tpu.vector_load %arg9[%get3A_323, %get3A_324, %get3A_325] {strides = array<i32>} : memref<2x144x128xf32, #tpu.memory_space<vmem>>, vector<1x1x16xf32>,
          %get3A_327 = vector.shape_cast %get3A_326 : vector<1x1x16xf32> to vector<16xf32>
          %sub3A_328 = arith.subf %get3A_321, %get3A_327 : vector<16xf32>
          %abs3A = math.absf %sub3A_328 : vector<16xf32>
          %min3A = arith.constant 1.000000e+00 : f32
          %min3A_329 = vector.broadcast %min3A : f32 to vector<16xf32>
          %min3A_330 = arith.minimumf %abs3A, %min3A_329 : vector<16xf32>
          %add3A_331 = arith.addf %abs3A, %abs3A : vector<16xf32>
          %sub3A_332 = arith.subf %add3A_331, %min3A_330 : vector<16xf32>
          %mul3A_333 = arith.mulf %min3A_330, %sub3A_332 : vector<16xf32>
          %mul3A_334 = arith.mulf %mul3A_333, %get3A_304 : vector<16xf32>
          %add3A_335 = arith.addf %scan3A_312, %mul3A_334 : vector<16xf32>
          scf.yield %add3A_335 : vector<16xf32>
        }
        %scan3A_310 = arith.constant 4 : i32
        scf.yield %scan3A_309 : vector<16xf32>
      }
      %scan3A_295 = arith.constant 8 : i32
      scf.yield %scan3A_294 : vector<16xf32>
    }
    %scan3A_283 = arith.constant 36 : i32
    %add3A_284 = arith.addf %add3A_249, %scan3A_282 : vector<16xf32>
    %swap3A = arith.constant 0 : index
    %swap3A_285 = tpu.vector_load %arg10[%swap3A] {strides = array<i32>} : memref<16xf32, #tpu.memory_space<vmem>>, vector<16xf32>,
    %swap3A_286 = vector.shape_cast %swap3A_285 : vector<16xf32> to vector<16xf32>
    %swap3A_287 = vector.shape_cast %add3A_284 : vector<16xf32> to vector<16xf32>
    tpu.vector_store %arg10[%swap3A], %swap3A_287 {strides = array<i32>} : memref<16xf32, #tpu.memory_space<vmem>>, vector<16xf32>,
    "tpu.region"() ({
      %run_scoped3A = tpu.sem_alloc : memref<!tpu.dma_semaphore, #tpu.memory_space<semaphore_mem>>
      %dma_start3A_288 = arith.constant 0 : i32
      %dma_start3A_289 = tpu.memref_slice %arg6[%add3A, %dma_start3A_288] : memref<32x16xf32, #tpu.memory_space<hbm>> -> memref<1x16xf32, #tpu.memory_space<hbm>>
      %dma_start3A_290 = tpu.memref_squeeze %dma_start3A_289 : memref<1x16xf32, #tpu.memory_space<hbm>> -> memref<16xf32, #tpu.memory_space<hbm>>
      %dma_start3A_291 = arith.constant 0 : i32
      %dma_start3A_292 = tpu.memref_slice %arg6[%add3A, %dma_start3A_291] : memref<32x16xf32, #tpu.memory_space<hbm>> -> memref<1x16xf32, #tpu.memory_space<hbm>>
      %dma_start3A_293 = tpu.memref_squeeze %dma_start3A_292 : memref<1x16xf32, #tpu.memory_space<hbm>> -> memref<16xf32, #tpu.memory_space<hbm>>
      tpu.enqueue_dma source(%arg10 : memref<16xf32, #tpu.memory_space<vmem>>) target(%dma_start3A_293 : memref<16xf32, #tpu.memory_space<hbm>>) target_semaphore(%run_scoped3A : memref<!tpu.dma_semaphore, #tpu.memory_space<semaphore_mem>>)
      %dma_wait3A_294 = arith.constant 0 : i32
      %dma_wait3A_295 = tpu.memref_slice %arg6[%add3A, %dma_wait3A_294] : memref<32x16xf32, #tpu.memory_space<hbm>> -> memref<1x16xf32, #tpu.memory_space<hbm>>
      %dma_wait3A_296 = tpu.memref_squeeze %dma_wait3A_295 : memref<1x16xf32, #tpu.memory_space<hbm>> -> memref<16xf32, #tpu.memory_space<hbm>>
      %dma_wait3A_297 = arith.constant 0 : i32
      %dma_wait3A_298 = tpu.memref_slice %arg6[%add3A, %dma_wait3A_297] : memref<32x16xf32, #tpu.memory_space<hbm>> -> memref<1x16xf32, #tpu.memory_space<hbm>>
      %dma_wait3A_299 = tpu.memref_squeeze %dma_wait3A_298 : memref<1x16xf32, #tpu.memory_space<hbm>> -> memref<16xf32, #tpu.memory_space<hbm>>
      tpu.wait_dma2 semaphore(%run_scoped3A : memref<!tpu.dma_semaphore, #tpu.memory_space<semaphore_mem>>) src(%arg10 : memref<16xf32, #tpu.memory_space<vmem>>) dst(%dma_wait3A_299 : memref<16xf32, #tpu.memory_space<hbm>>)
      tpu.yield
    }) : () -> ()
    return
  }
}

module attributes {stable_mosaic.version = 14 : i64} {
  func.func @_bce_body(%arg0: i32, %arg1: memref<2304x128xf32, #tpu.memory_space<vmem>>, %arg2: memref<2304x128xf32, #tpu.memory_space<vmem>>, %arg3: memref<1x1xf32, #tpu.memory_space<vmem>>) attributes {dimension_semantics = [#tpu.dimension_semantics<arbitrary>], iteration_bounds = array<i64: 4>, scalar_prefetch = 0 : i64, scratch_operands = 0 : i64, tpu.core_type = #tpu.core_type<tc>, window_params = [{transform_indices = @transform_0, window_bounds = array<i64: 2304, 128>}, {transform_indices = @transform_1, window_bounds = array<i64: 2304, 128>}, {pipeline_mode = #tpu.pipeline_mode<synchronous>, transform_indices = @transform_2, window_bounds = array<i64: 1, 1>}]} {
    %get3A = arith.constant 0 : index
    %get3A_0 = arith.constant 0 : index
    %get3A_1 = vector.load %arg1[%get3A, %get3A_0] : memref<2304x128xf32, #tpu.memory_space<vmem>>, vector<2304x128xf32>
    %get3A_2 = arith.constant 0 : index
    %get3A_3 = arith.constant 0 : index
    %get3A_4 = vector.load %arg2[%get3A_2, %get3A_3] : memref<2304x128xf32, #tpu.memory_space<vmem>>, vector<2304x128xf32>
    %max3A = arith.constant 0.000000e+00 : f32
    %max3A_5 = vector.broadcast %max3A : f32 to vector<2304x128xf32>
    %max3A_6 = arith.maximumf %get3A_1, %max3A_5 : vector<2304x128xf32>
    %mul3A = arith.mulf %get3A_1, %get3A_4 : vector<2304x128xf32>
    %sub3A = arith.subf %max3A_6, %mul3A : vector<2304x128xf32>
    %abs3A = math.absf %get3A_1 : vector<2304x128xf32>
    %neg3A = arith.constant 0.000000e+00 : f32
    %neg3A_7 = vector.broadcast %neg3A : f32 to vector<2304x128xf32>
    %neg3A_8 = arith.subf %neg3A_7, %abs3A : vector<2304x128xf32>
    %exp3A = math.exp %neg3A_8 : vector<2304x128xf32>
    %log1p3A = math.log1p %exp3A : vector<2304x128xf32>
    %add3A = arith.addf %sub3A, %log1p3A : vector<2304x128xf32>
    %eq3A = arith.constant 0 : i32
    %eq3A_9 = arith.cmpi eq, %arg0, %eq3A : i32
    %convert_element_type3A = arith.extui %eq3A_9 : i1 to i32
    %cond3A = arith.constant 0 : i32
    %cond3A_10 = arith.cmpi ne, %convert_element_type3A, %cond3A : i32
    scf.if %cond3A_10 {
      %broadcast_in_dim3A_21 = arith.constant 0.000000e+00 : f32
      %broadcast_in_dim3A_22 = vector.broadcast %broadcast_in_dim3A_21 : f32 to vector<1x1xf32>
      %swap3A_23 = arith.constant 0 : index
      %swap3A_24 = arith.constant 0 : index
      %swap3A_25 = vector.load %arg3[%swap3A_23, %swap3A_24] : memref<1x1xf32, #tpu.memory_space<vmem>>, vector<1x1xf32>
      tpu.vector_store %arg3[%swap3A_23, %swap3A_24], %broadcast_in_dim3A_22 {strides = array<i32>} : memref<1x1xf32, #tpu.memory_space<vmem>>, vector<1x1xf32>,
    } else {
    }
    %get3A_11 = arith.constant 0 : index
    %get3A_12 = arith.constant 0 : index
    %get3A_13 = vector.load %arg3[%get3A_11, %get3A_12] : memref<1x1xf32, #tpu.memory_space<vmem>>, vector<1x1xf32>
    %reduce_sum3A = vector.shape_cast %add3A : vector<2304x128xf32> to vector<1x2304x128xf32>
    %reduce_sum3A_14 = arith.constant dense<0.000000e+00> : vector<1xf32>
    %reduce_sum3A_15 = vector.multi_reduction <add>, %reduce_sum3A, %reduce_sum3A_14 [1, 2] : vector<1x2304x128xf32> to vector<1xf32>
    %reduce_sum3A_16 = vector.shape_cast %reduce_sum3A_15 : vector<1xf32> to vector<1x1x1xf32>
    %reduce_sum3A_17 = vector.extract %reduce_sum3A_16[0, 0, 0] : f32 from vector<1x1x1xf32>
    %broadcast_in_dim3A = vector.broadcast %reduce_sum3A_17 : f32 to vector<1x1xf32>
    %add3A_18 = arith.addf %get3A_13, %broadcast_in_dim3A : vector<1x1xf32>
    %swap3A = arith.constant 0 : index
    %swap3A_19 = arith.constant 0 : index
    %swap3A_20 = vector.load %arg3[%swap3A, %swap3A_19] : memref<1x1xf32, #tpu.memory_space<vmem>>, vector<1x1xf32>
    tpu.vector_store %arg3[%swap3A, %swap3A_19], %add3A_18 {strides = array<i32>} : memref<1x1xf32, #tpu.memory_space<vmem>>, vector<1x1xf32>,
    return
  }
  func.func @transform_0(%arg0: i32) -> (i32, i32) {
    %c0_i32 = arith.constant 0 : i32
    %c0_i32_0 = arith.constant 0 : i32
    return %arg0, %c0_i32 : i32, i32
  }
  func.func @transform_1(%arg0: i32) -> (i32, i32) {
    %c0_i32 = arith.constant 0 : i32
    %c0_i32_0 = arith.constant 0 : i32
    return %arg0, %c0_i32 : i32, i32
  }
  func.func @transform_2(%arg0: i32) -> (i32, i32) {
    %c0_i32 = arith.constant 0 : i32
    %c0_i32_0 = arith.constant 0 : i32
    %c0_i32_1 = arith.constant 0 : i32
    return %c0_i32, %c0_i32_0 : i32, i32
  }
}

module attributes {stable_mosaic.version = 14 : i64} {
  func.func @_tc_body(%arg0: i32, %arg1: i32, %arg2: memref<576x128xf32, #tpu.memory_space<vmem>>, %arg3: memref<288x128xf32, #tpu.memory_space<vmem>>, %arg4: memref<288x128xf32, #tpu.memory_space<vmem>>, %arg5: memref<288x128xf32, #tpu.memory_space<vmem>>, %arg6: memref<288x128xf32, #tpu.memory_space<vmem>>, %arg7: memref<288x128xf32, #tpu.memory_space<vmem>>, %arg8: memref<288x128xf32, #tpu.memory_space<vmem>>, %arg9: memref<288x128xf32, #tpu.memory_space<vmem>>, %arg10: memref<288x128xf32, #tpu.memory_space<vmem>>, %arg11: memref<288x128xf32, #tpu.memory_space<vmem>>, %arg12: memref<288x128xf32, #tpu.memory_space<vmem>>, %arg13: memref<288x128xf32, #tpu.memory_space<vmem>>, %arg14: memref<288x128xf32, #tpu.memory_space<vmem>>, %arg15: memref<288x128xf32, #tpu.memory_space<vmem>>, %arg16: memref<288x128xf32, #tpu.memory_space<vmem>>, %arg17: memref<288x128xf32, #tpu.memory_space<vmem>>, %arg18: memref<288x128xf32, #tpu.memory_space<vmem>>, %arg19: memref<1x1xf32, #tpu.memory_space<vmem>>) attributes {dimension_semantics = [#tpu.dimension_semantics<arbitrary>, #tpu.dimension_semantics<arbitrary>], iteration_bounds = array<i64: 4, 2>, scalar_prefetch = 0 : i64, scratch_operands = 0 : i64, tpu.core_type = #tpu.core_type<tc>, window_params = [{transform_indices = @transform_0, window_bounds = array<i64: 576, 128>}, {transform_indices = @transform_1, window_bounds = array<i64: 288, 128>}, {transform_indices = @transform_2, window_bounds = array<i64: 288, 128>}, {transform_indices = @transform_3, window_bounds = array<i64: 288, 128>}, {transform_indices = @transform_4, window_bounds = array<i64: 288, 128>}, {transform_indices = @transform_5, window_bounds = array<i64: 288, 128>}, {transform_indices = @transform_6, window_bounds = array<i64: 288, 128>}, {transform_indices = @transform_7, window_bounds = array<i64: 288, 128>}, {transform_indices = @transform_8, window_bounds = array<i64: 288, 128>}, {transform_indices = @transform_9, window_bounds = array<i64: 288, 128>}, {transform_indices = @transform_10, window_bounds = array<i64: 288, 128>}, {transform_indices = @transform_11, window_bounds = array<i64: 288, 128>}, {transform_indices = @transform_12, window_bounds = array<i64: 288, 128>}, {transform_indices = @transform_13, window_bounds = array<i64: 288, 128>}, {transform_indices = @transform_14, window_bounds = array<i64: 288, 128>}, {transform_indices = @transform_15, window_bounds = array<i64: 288, 128>}, {transform_indices = @transform_16, window_bounds = array<i64: 288, 128>}, {pipeline_mode = #tpu.pipeline_mode<synchronous>, transform_indices = @transform_17, window_bounds = array<i64: 1, 1>}]} {
    %get3A = arith.constant 0 : index
    %get3A_0 = arith.constant 0 : index
    %get3A_1 = vector.load %arg2[%get3A, %get3A_0] : memref<576x128xf32, #tpu.memory_space<vmem>>, vector<576x128xf32>
    %eq3A = arith.constant 1.000000e+00 : f32
    %eq3A_2 = vector.broadcast %eq3A : f32 to vector<576x128xf32>
    %eq3A_3 = arith.cmpf oeq, %get3A_1, %eq3A_2 : vector<576x128xf32>
    %convert_element_type3A = arith.extui %eq3A_3 : vector<576x128xi1> to vector<576x128xi32>
    %convert_element_type3A_4 = arith.sitofp %convert_element_type3A : vector<576x128xi32> to vector<576x128xf32>
    %reshape3A = vector.shape_cast %convert_element_type3A_4 : vector<576x128xf32> to vector<72x8x128xf32>
    %transpose3A = tpu.transpose %reshape3A, [1, 0, 2] : vector<72x8x128xf32> -> vector<8x72x128xf32>
    %iota3A = tpu.iota {dimensions = array<i32: 0>} : vector<72x288xi32>
    %iota3A_5 = tpu.iota {dimensions = array<i32: 1>} : vector<72x288xi32>
    %jit3A = arith.constant 4 : i32
    %div3A = vector.broadcast %jit3A : i32 to vector<72x288xi32>
    %div3A_6 = arith.divsi %iota3A_5, %div3A : vector<72x288xi32>
    %sign3A = arith.constant 0 : i32
    %sign3A_7 = vector.broadcast %sign3A : i32 to vector<72x288xi32>
    %sign3A_8 = arith.cmpi sgt, %iota3A_5, %sign3A_7 : vector<72x288xi32>
    %sign3A_9 = arith.extui %sign3A_8 : vector<72x288xi1> to vector<72x288xi32>
    %sign3A_10 = arith.constant 0 : i32
    %sign3A_11 = vector.broadcast %sign3A_10 : i32 to vector<72x288xi32>
    %sign3A_12 = arith.cmpi slt, %iota3A_5, %sign3A_11 : vector<72x288xi32>
    %sign3A_13 = arith.extui %sign3A_12 : vector<72x288xi1> to vector<72x288xi32>
    %sign3A_14 = arith.subi %sign3A_9, %sign3A_13 : vector<72x288xi32>
    %sign3A_15 = arith.constant 0 : i32
    %sign3A_16 = arith.cmpi sgt, %jit3A, %sign3A_15 : i32
    %sign3A_17 = arith.extui %sign3A_16 : i1 to i32
    %sign3A_18 = arith.constant 0 : i32
    %sign3A_19 = arith.cmpi slt, %jit3A, %sign3A_18 : i32
    %sign3A_20 = arith.extui %sign3A_19 : i1 to i32
    %sign3A_21 = arith.subi %sign3A_17, %sign3A_20 : i32
    %ne3A = vector.broadcast %sign3A_21 : i32 to vector<72x288xi32>
    %ne3A_22 = arith.cmpi ne, %sign3A_14, %ne3A : vector<72x288xi32>
    %rem3A = vector.broadcast %jit3A : i32 to vector<72x288xi32>
    %rem3A_23 = arith.remsi %iota3A_5, %rem3A : vector<72x288xi32>
    %ne3A_24 = arith.constant 0 : i32
    %ne3A_25 = vector.broadcast %ne3A_24 : i32 to vector<72x288xi32>
    %ne3A_26 = arith.cmpi ne, %rem3A_23, %ne3A_25 : vector<72x288xi32>
    %and3A = arith.andi %ne3A_22, %ne3A_26 : vector<72x288xi1>
    %sub3A = arith.constant 1 : i32
    %sub3A_27 = vector.broadcast %sub3A : i32 to vector<72x288xi32>
    %sub3A_28 = arith.subi %div3A_6, %sub3A_27 : vector<72x288xi32>
    %select_n3A = arith.select %and3A, %sub3A_28, %div3A_6 : vector<72x288xi1>, vector<72x288xi32>
    %eq3A_29 = arith.cmpi eq, %select_n3A, %iota3A : vector<72x288xi32>
    %convert_element_type3A_30 = arith.extui %eq3A_29 : vector<72x288xi1> to vector<72x288xi32>
    %convert_element_type3A_31 = arith.sitofp %convert_element_type3A_30 : vector<72x288xi32> to vector<72x288xf32>
    %get3A_32 = arith.constant 0 : index
    %get3A_33 = arith.constant 0 : index
    %get3A_34 = vector.load %arg3[%get3A_32, %get3A_33] : memref<288x128xf32, #tpu.memory_space<vmem>>, vector<288x128xf32>
    %get3A_35 = arith.constant 0 : index
    %get3A_36 = arith.constant 0 : index
    %get3A_37 = vector.load %arg11[%get3A_35, %get3A_36] : memref<288x128xf32, #tpu.memory_space<vmem>>, vector<288x128xf32>
    %sub3A_38 = arith.subf %get3A_34, %get3A_37 : vector<288x128xf32>
    %abs3A = math.absf %sub3A_38 : vector<288x128xf32>
    %min3A = arith.constant 1.000000e+00 : f32
    %min3A_39 = vector.broadcast %min3A : f32 to vector<288x128xf32>
    %min3A_40 = arith.minimumf %abs3A, %min3A_39 : vector<288x128xf32>
    %add3A = arith.addf %abs3A, %abs3A : vector<288x128xf32>
    %sub3A_41 = arith.subf %add3A, %min3A_40 : vector<288x128xf32>
    %mul3A = arith.mulf %min3A_40, %sub3A_41 : vector<288x128xf32>
    %dot_general3A = arith.constant dense<0.000000e+00> : vector<72x128xf32>
    %dot_general3A_42 = tpu.matmul %convert_element_type3A_31, %mul3A, %dot_general3A {dimension_numbers = #tpu.dot_dimension_numbers<[1], [0], [0], [1], [0, 0, 1, 1], [], []>, transpose_lhs_hint = false} : vector<72x288xf32>, vector<288x128xf32>, vector<72x128xf32> -> vector<72x128xf32>
    %slice3A = vector.extract_strided_slice %transpose3A {offsets = [0, 0, 0], sizes = [1, 72, 128], strides = [1, 1, 1]} : vector<8x72x128xf32> to vector<1x72x128xf32>
    %squeeze3A = vector.shape_cast %slice3A : vector<1x72x128xf32> to vector<72x128xf32>
    %mul3A_43 = arith.mulf %dot_general3A_42, %squeeze3A : vector<72x128xf32>
    %reduce_sum3A = vector.shape_cast %mul3A_43 : vector<72x128xf32> to vector<1x72x128xf32>
    %reduce_sum3A_44 = arith.constant dense<0.000000e+00> : vector<1xf32>
    %reduce_sum3A_45 = vector.multi_reduction <add>, %reduce_sum3A, %reduce_sum3A_44 [1, 2] : vector<1x72x128xf32> to vector<1xf32>
    %reduce_sum3A_46 = vector.shape_cast %reduce_sum3A_45 : vector<1xf32> to vector<1x1x1xf32>
    %reduce_sum3A_47 = vector.extract %reduce_sum3A_46[0, 0, 0] : f32 from vector<1x1x1xf32>
    %add3A_48 = arith.constant 0.000000e+00 : f32
    %add3A_49 = arith.addf %add3A_48, %reduce_sum3A_47 : f32
    %get3A_50 = arith.constant 0 : index
    %get3A_51 = arith.constant 0 : index
    %get3A_52 = vector.load %arg4[%get3A_50, %get3A_51] : memref<288x128xf32, #tpu.memory_space<vmem>>, vector<288x128xf32>
    %get3A_53 = arith.constant 0 : index
    %get3A_54 = arith.constant 0 : index
    %get3A_55 = vector.load %arg12[%get3A_53, %get3A_54] : memref<288x128xf32, #tpu.memory_space<vmem>>, vector<288x128xf32>
    %sub3A_56 = arith.subf %get3A_52, %get3A_55 : vector<288x128xf32>
    %abs3A_57 = math.absf %sub3A_56 : vector<288x128xf32>
    %min3A_58 = arith.constant 1.000000e+00 : f32
    %min3A_59 = vector.broadcast %min3A_58 : f32 to vector<288x128xf32>
    %min3A_60 = arith.minimumf %abs3A_57, %min3A_59 : vector<288x128xf32>
    %add3A_61 = arith.addf %abs3A_57, %abs3A_57 : vector<288x128xf32>
    %sub3A_62 = arith.subf %add3A_61, %min3A_60 : vector<288x128xf32>
    %mul3A_63 = arith.mulf %min3A_60, %sub3A_62 : vector<288x128xf32>
    %dot_general3A_64 = arith.constant dense<0.000000e+00> : vector<72x128xf32>
    %dot_general3A_65 = tpu.matmul %convert_element_type3A_31, %mul3A_63, %dot_general3A_64 {dimension_numbers = #tpu.dot_dimension_numbers<[1], [0], [0], [1], [0, 0, 1, 1], [], []>, transpose_lhs_hint = false} : vector<72x288xf32>, vector<288x128xf32>, vector<72x128xf32> -> vector<72x128xf32>
    %slice3A_66 = vector.extract_strided_slice %transpose3A {offsets = [1, 0, 0], sizes = [1, 72, 128], strides = [1, 1, 1]} : vector<8x72x128xf32> to vector<1x72x128xf32>
    %squeeze3A_67 = vector.shape_cast %slice3A_66 : vector<1x72x128xf32> to vector<72x128xf32>
    %mul3A_68 = arith.mulf %dot_general3A_65, %squeeze3A_67 : vector<72x128xf32>
    %reduce_sum3A_69 = vector.shape_cast %mul3A_68 : vector<72x128xf32> to vector<1x72x128xf32>
    %reduce_sum3A_70 = arith.constant dense<0.000000e+00> : vector<1xf32>
    %reduce_sum3A_71 = vector.multi_reduction <add>, %reduce_sum3A_69, %reduce_sum3A_70 [1, 2] : vector<1x72x128xf32> to vector<1xf32>
    %reduce_sum3A_72 = vector.shape_cast %reduce_sum3A_71 : vector<1xf32> to vector<1x1x1xf32>
    %reduce_sum3A_73 = vector.extract %reduce_sum3A_72[0, 0, 0] : f32 from vector<1x1x1xf32>
    %add3A_74 = arith.addf %add3A_49, %reduce_sum3A_73 : f32
    %get3A_75 = arith.constant 0 : index
    %get3A_76 = arith.constant 0 : index
    %get3A_77 = vector.load %arg5[%get3A_75, %get3A_76] : memref<288x128xf32, #tpu.memory_space<vmem>>, vector<288x128xf32>
    %get3A_78 = arith.constant 0 : index
    %get3A_79 = arith.constant 0 : index
    %get3A_80 = vector.load %arg13[%get3A_78, %get3A_79] : memref<288x128xf32, #tpu.memory_space<vmem>>, vector<288x128xf32>
    %sub3A_81 = arith.subf %get3A_77, %get3A_80 : vector<288x128xf32>
    %abs3A_82 = math.absf %sub3A_81 : vector<288x128xf32>
    %min3A_83 = arith.constant 1.000000e+00 : f32
    %min3A_84 = vector.broadcast %min3A_83 : f32 to vector<288x128xf32>
    %min3A_85 = arith.minimumf %abs3A_82, %min3A_84 : vector<288x128xf32>
    %add3A_86 = arith.addf %abs3A_82, %abs3A_82 : vector<288x128xf32>
    %sub3A_87 = arith.subf %add3A_86, %min3A_85 : vector<288x128xf32>
    %mul3A_88 = arith.mulf %min3A_85, %sub3A_87 : vector<288x128xf32>
    %dot_general3A_89 = arith.constant dense<0.000000e+00> : vector<72x128xf32>
    %dot_general3A_90 = tpu.matmul %convert_element_type3A_31, %mul3A_88, %dot_general3A_89 {dimension_numbers = #tpu.dot_dimension_numbers<[1], [0], [0], [1], [0, 0, 1, 1], [], []>, transpose_lhs_hint = false} : vector<72x288xf32>, vector<288x128xf32>, vector<72x128xf32> -> vector<72x128xf32>
    %slice3A_91 = vector.extract_strided_slice %transpose3A {offsets = [2, 0, 0], sizes = [1, 72, 128], strides = [1, 1, 1]} : vector<8x72x128xf32> to vector<1x72x128xf32>
    %squeeze3A_92 = vector.shape_cast %slice3A_91 : vector<1x72x128xf32> to vector<72x128xf32>
    %mul3A_93 = arith.mulf %dot_general3A_90, %squeeze3A_92 : vector<72x128xf32>
    %reduce_sum3A_94 = vector.shape_cast %mul3A_93 : vector<72x128xf32> to vector<1x72x128xf32>
    %reduce_sum3A_95 = arith.constant dense<0.000000e+00> : vector<1xf32>
    %reduce_sum3A_96 = vector.multi_reduction <add>, %reduce_sum3A_94, %reduce_sum3A_95 [1, 2] : vector<1x72x128xf32> to vector<1xf32>
    %reduce_sum3A_97 = vector.shape_cast %reduce_sum3A_96 : vector<1xf32> to vector<1x1x1xf32>
    %reduce_sum3A_98 = vector.extract %reduce_sum3A_97[0, 0, 0] : f32 from vector<1x1x1xf32>
    %add3A_99 = arith.addf %add3A_74, %reduce_sum3A_98 : f32
    %get3A_100 = arith.constant 0 : index
    %get3A_101 = arith.constant 0 : index
    %get3A_102 = vector.load %arg6[%get3A_100, %get3A_101] : memref<288x128xf32, #tpu.memory_space<vmem>>, vector<288x128xf32>
    %get3A_103 = arith.constant 0 : index
    %get3A_104 = arith.constant 0 : index
    %get3A_105 = vector.load %arg14[%get3A_103, %get3A_104] : memref<288x128xf32, #tpu.memory_space<vmem>>, vector<288x128xf32>
    %sub3A_106 = arith.subf %get3A_102, %get3A_105 : vector<288x128xf32>
    %abs3A_107 = math.absf %sub3A_106 : vector<288x128xf32>
    %min3A_108 = arith.constant 1.000000e+00 : f32
    %min3A_109 = vector.broadcast %min3A_108 : f32 to vector<288x128xf32>
    %min3A_110 = arith.minimumf %abs3A_107, %min3A_109 : vector<288x128xf32>
    %add3A_111 = arith.addf %abs3A_107, %abs3A_107 : vector<288x128xf32>
    %sub3A_112 = arith.subf %add3A_111, %min3A_110 : vector<288x128xf32>
    %mul3A_113 = arith.mulf %min3A_110, %sub3A_112 : vector<288x128xf32>
    %dot_general3A_114 = arith.constant dense<0.000000e+00> : vector<72x128xf32>
    %dot_general3A_115 = tpu.matmul %convert_element_type3A_31, %mul3A_113, %dot_general3A_114 {dimension_numbers = #tpu.dot_dimension_numbers<[1], [0], [0], [1], [0, 0, 1, 1], [], []>, transpose_lhs_hint = false} : vector<72x288xf32>, vector<288x128xf32>, vector<72x128xf32> -> vector<72x128xf32>
    %slice3A_116 = vector.extract_strided_slice %transpose3A {offsets = [3, 0, 0], sizes = [1, 72, 128], strides = [1, 1, 1]} : vector<8x72x128xf32> to vector<1x72x128xf32>
    %squeeze3A_117 = vector.shape_cast %slice3A_116 : vector<1x72x128xf32> to vector<72x128xf32>
    %mul3A_118 = arith.mulf %dot_general3A_115, %squeeze3A_117 : vector<72x128xf32>
    %reduce_sum3A_119 = vector.shape_cast %mul3A_118 : vector<72x128xf32> to vector<1x72x128xf32>
    %reduce_sum3A_120 = arith.constant dense<0.000000e+00> : vector<1xf32>
    %reduce_sum3A_121 = vector.multi_reduction <add>, %reduce_sum3A_119, %reduce_sum3A_120 [1, 2] : vector<1x72x128xf32> to vector<1xf32>
    %reduce_sum3A_122 = vector.shape_cast %reduce_sum3A_121 : vector<1xf32> to vector<1x1x1xf32>
    %reduce_sum3A_123 = vector.extract %reduce_sum3A_122[0, 0, 0] : f32 from vector<1x1x1xf32>
    %add3A_124 = arith.addf %add3A_99, %reduce_sum3A_123 : f32
    %get3A_125 = arith.constant 0 : index
    %get3A_126 = arith.constant 0 : index
    %get3A_127 = vector.load %arg7[%get3A_125, %get3A_126] : memref<288x128xf32, #tpu.memory_space<vmem>>, vector<288x128xf32>
    %get3A_128 = arith.constant 0 : index
    %get3A_129 = arith.constant 0 : index
    %get3A_130 = vector.load %arg15[%get3A_128, %get3A_129] : memref<288x128xf32, #tpu.memory_space<vmem>>, vector<288x128xf32>
    %sub3A_131 = arith.subf %get3A_127, %get3A_130 : vector<288x128xf32>
    %abs3A_132 = math.absf %sub3A_131 : vector<288x128xf32>
    %min3A_133 = arith.constant 1.000000e+00 : f32
    %min3A_134 = vector.broadcast %min3A_133 : f32 to vector<288x128xf32>
    %min3A_135 = arith.minimumf %abs3A_132, %min3A_134 : vector<288x128xf32>
    %add3A_136 = arith.addf %abs3A_132, %abs3A_132 : vector<288x128xf32>
    %sub3A_137 = arith.subf %add3A_136, %min3A_135 : vector<288x128xf32>
    %mul3A_138 = arith.mulf %min3A_135, %sub3A_137 : vector<288x128xf32>
    %dot_general3A_139 = arith.constant dense<0.000000e+00> : vector<72x128xf32>
    %dot_general3A_140 = tpu.matmul %convert_element_type3A_31, %mul3A_138, %dot_general3A_139 {dimension_numbers = #tpu.dot_dimension_numbers<[1], [0], [0], [1], [0, 0, 1, 1], [], []>, transpose_lhs_hint = false} : vector<72x288xf32>, vector<288x128xf32>, vector<72x128xf32> -> vector<72x128xf32>
    %slice3A_141 = vector.extract_strided_slice %transpose3A {offsets = [4, 0, 0], sizes = [1, 72, 128], strides = [1, 1, 1]} : vector<8x72x128xf32> to vector<1x72x128xf32>
    %squeeze3A_142 = vector.shape_cast %slice3A_141 : vector<1x72x128xf32> to vector<72x128xf32>
    %mul3A_143 = arith.mulf %dot_general3A_140, %squeeze3A_142 : vector<72x128xf32>
    %reduce_sum3A_144 = vector.shape_cast %mul3A_143 : vector<72x128xf32> to vector<1x72x128xf32>
    %reduce_sum3A_145 = arith.constant dense<0.000000e+00> : vector<1xf32>
    %reduce_sum3A_146 = vector.multi_reduction <add>, %reduce_sum3A_144, %reduce_sum3A_145 [1, 2] : vector<1x72x128xf32> to vector<1xf32>
    %reduce_sum3A_147 = vector.shape_cast %reduce_sum3A_146 : vector<1xf32> to vector<1x1x1xf32>
    %reduce_sum3A_148 = vector.extract %reduce_sum3A_147[0, 0, 0] : f32 from vector<1x1x1xf32>
    %add3A_149 = arith.addf %add3A_124, %reduce_sum3A_148 : f32
    %get3A_150 = arith.constant 0 : index
    %get3A_151 = arith.constant 0 : index
    %get3A_152 = vector.load %arg8[%get3A_150, %get3A_151] : memref<288x128xf32, #tpu.memory_space<vmem>>, vector<288x128xf32>
    %get3A_153 = arith.constant 0 : index
    %get3A_154 = arith.constant 0 : index
    %get3A_155 = vector.load %arg16[%get3A_153, %get3A_154] : memref<288x128xf32, #tpu.memory_space<vmem>>, vector<288x128xf32>
    %sub3A_156 = arith.subf %get3A_152, %get3A_155 : vector<288x128xf32>
    %abs3A_157 = math.absf %sub3A_156 : vector<288x128xf32>
    %min3A_158 = arith.constant 1.000000e+00 : f32
    %min3A_159 = vector.broadcast %min3A_158 : f32 to vector<288x128xf32>
    %min3A_160 = arith.minimumf %abs3A_157, %min3A_159 : vector<288x128xf32>
    %add3A_161 = arith.addf %abs3A_157, %abs3A_157 : vector<288x128xf32>
    %sub3A_162 = arith.subf %add3A_161, %min3A_160 : vector<288x128xf32>
    %mul3A_163 = arith.mulf %min3A_160, %sub3A_162 : vector<288x128xf32>
    %dot_general3A_164 = arith.constant dense<0.000000e+00> : vector<72x128xf32>
    %dot_general3A_165 = tpu.matmul %convert_element_type3A_31, %mul3A_163, %dot_general3A_164 {dimension_numbers = #tpu.dot_dimension_numbers<[1], [0], [0], [1], [0, 0, 1, 1], [], []>, transpose_lhs_hint = false} : vector<72x288xf32>, vector<288x128xf32>, vector<72x128xf32> -> vector<72x128xf32>
    %slice3A_166 = vector.extract_strided_slice %transpose3A {offsets = [5, 0, 0], sizes = [1, 72, 128], strides = [1, 1, 1]} : vector<8x72x128xf32> to vector<1x72x128xf32>
    %squeeze3A_167 = vector.shape_cast %slice3A_166 : vector<1x72x128xf32> to vector<72x128xf32>
    %mul3A_168 = arith.mulf %dot_general3A_165, %squeeze3A_167 : vector<72x128xf32>
    %reduce_sum3A_169 = vector.shape_cast %mul3A_168 : vector<72x128xf32> to vector<1x72x128xf32>
    %reduce_sum3A_170 = arith.constant dense<0.000000e+00> : vector<1xf32>
    %reduce_sum3A_171 = vector.multi_reduction <add>, %reduce_sum3A_169, %reduce_sum3A_170 [1, 2] : vector<1x72x128xf32> to vector<1xf32>
    %reduce_sum3A_172 = vector.shape_cast %reduce_sum3A_171 : vector<1xf32> to vector<1x1x1xf32>
    %reduce_sum3A_173 = vector.extract %reduce_sum3A_172[0, 0, 0] : f32 from vector<1x1x1xf32>
    %add3A_174 = arith.addf %add3A_149, %reduce_sum3A_173 : f32
    %get3A_175 = arith.constant 0 : index
    %get3A_176 = arith.constant 0 : index
    %get3A_177 = vector.load %arg9[%get3A_175, %get3A_176] : memref<288x128xf32, #tpu.memory_space<vmem>>, vector<288x128xf32>
    %get3A_178 = arith.constant 0 : index
    %get3A_179 = arith.constant 0 : index
    %get3A_180 = vector.load %arg17[%get3A_178, %get3A_179] : memref<288x128xf32, #tpu.memory_space<vmem>>, vector<288x128xf32>
    %sub3A_181 = arith.subf %get3A_177, %get3A_180 : vector<288x128xf32>
    %abs3A_182 = math.absf %sub3A_181 : vector<288x128xf32>
    %min3A_183 = arith.constant 1.000000e+00 : f32
    %min3A_184 = vector.broadcast %min3A_183 : f32 to vector<288x128xf32>
    %min3A_185 = arith.minimumf %abs3A_182, %min3A_184 : vector<288x128xf32>
    %add3A_186 = arith.addf %abs3A_182, %abs3A_182 : vector<288x128xf32>
    %sub3A_187 = arith.subf %add3A_186, %min3A_185 : vector<288x128xf32>
    %mul3A_188 = arith.mulf %min3A_185, %sub3A_187 : vector<288x128xf32>
    %dot_general3A_189 = arith.constant dense<0.000000e+00> : vector<72x128xf32>
    %dot_general3A_190 = tpu.matmul %convert_element_type3A_31, %mul3A_188, %dot_general3A_189 {dimension_numbers = #tpu.dot_dimension_numbers<[1], [0], [0], [1], [0, 0, 1, 1], [], []>, transpose_lhs_hint = false} : vector<72x288xf32>, vector<288x128xf32>, vector<72x128xf32> -> vector<72x128xf32>
    %slice3A_191 = vector.extract_strided_slice %transpose3A {offsets = [6, 0, 0], sizes = [1, 72, 128], strides = [1, 1, 1]} : vector<8x72x128xf32> to vector<1x72x128xf32>
    %squeeze3A_192 = vector.shape_cast %slice3A_191 : vector<1x72x128xf32> to vector<72x128xf32>
    %mul3A_193 = arith.mulf %dot_general3A_190, %squeeze3A_192 : vector<72x128xf32>
    %reduce_sum3A_194 = vector.shape_cast %mul3A_193 : vector<72x128xf32> to vector<1x72x128xf32>
    %reduce_sum3A_195 = arith.constant dense<0.000000e+00> : vector<1xf32>
    %reduce_sum3A_196 = vector.multi_reduction <add>, %reduce_sum3A_194, %reduce_sum3A_195 [1, 2] : vector<1x72x128xf32> to vector<1xf32>
    %reduce_sum3A_197 = vector.shape_cast %reduce_sum3A_196 : vector<1xf32> to vector<1x1x1xf32>
    %reduce_sum3A_198 = vector.extract %reduce_sum3A_197[0, 0, 0] : f32 from vector<1x1x1xf32>
    %add3A_199 = arith.addf %add3A_174, %reduce_sum3A_198 : f32
    %get3A_200 = arith.constant 0 : index
    %get3A_201 = arith.constant 0 : index
    %get3A_202 = vector.load %arg10[%get3A_200, %get3A_201] : memref<288x128xf32, #tpu.memory_space<vmem>>, vector<288x128xf32>
    %get3A_203 = arith.constant 0 : index
    %get3A_204 = arith.constant 0 : index
    %get3A_205 = vector.load %arg18[%get3A_203, %get3A_204] : memref<288x128xf32, #tpu.memory_space<vmem>>, vector<288x128xf32>
    %sub3A_206 = arith.subf %get3A_202, %get3A_205 : vector<288x128xf32>
    %abs3A_207 = math.absf %sub3A_206 : vector<288x128xf32>
    %min3A_208 = arith.constant 1.000000e+00 : f32
    %min3A_209 = vector.broadcast %min3A_208 : f32 to vector<288x128xf32>
    %min3A_210 = arith.minimumf %abs3A_207, %min3A_209 : vector<288x128xf32>
    %add3A_211 = arith.addf %abs3A_207, %abs3A_207 : vector<288x128xf32>
    %sub3A_212 = arith.subf %add3A_211, %min3A_210 : vector<288x128xf32>
    %mul3A_213 = arith.mulf %min3A_210, %sub3A_212 : vector<288x128xf32>
    %dot_general3A_214 = arith.constant dense<0.000000e+00> : vector<72x128xf32>
    %dot_general3A_215 = tpu.matmul %convert_element_type3A_31, %mul3A_213, %dot_general3A_214 {dimension_numbers = #tpu.dot_dimension_numbers<[1], [0], [0], [1], [0, 0, 1, 1], [], []>, transpose_lhs_hint = false} : vector<72x288xf32>, vector<288x128xf32>, vector<72x128xf32> -> vector<72x128xf32>
    %slice3A_216 = vector.extract_strided_slice %transpose3A {offsets = [7, 0, 0], sizes = [1, 72, 128], strides = [1, 1, 1]} : vector<8x72x128xf32> to vector<1x72x128xf32>
    %squeeze3A_217 = vector.shape_cast %slice3A_216 : vector<1x72x128xf32> to vector<72x128xf32>
    %mul3A_218 = arith.mulf %dot_general3A_215, %squeeze3A_217 : vector<72x128xf32>
    %reduce_sum3A_219 = vector.shape_cast %mul3A_218 : vector<72x128xf32> to vector<1x72x128xf32>
    %reduce_sum3A_220 = arith.constant dense<0.000000e+00> : vector<1xf32>
    %reduce_sum3A_221 = vector.multi_reduction <add>, %reduce_sum3A_219, %reduce_sum3A_220 [1, 2] : vector<1x72x128xf32> to vector<1xf32>
    %reduce_sum3A_222 = vector.shape_cast %reduce_sum3A_221 : vector<1xf32> to vector<1x1x1xf32>
    %reduce_sum3A_223 = vector.extract %reduce_sum3A_222[0, 0, 0] : f32 from vector<1x1x1xf32>
    %add3A_224 = arith.addf %add3A_199, %reduce_sum3A_223 : f32
    %eq3A_225 = arith.constant 0 : i32
    %eq3A_226 = arith.cmpi eq, %arg0, %eq3A_225 : i32
    %eq3A_227 = arith.constant 0 : i32
    %eq3A_228 = arith.cmpi eq, %arg1, %eq3A_227 : i32
    %and3A_229 = arith.andi %eq3A_226, %eq3A_228 : i1
    %convert_element_type3A_230 = arith.extui %and3A_229 : i1 to i32
    %cond3A = arith.constant 0 : i32
    %cond3A_231 = arith.cmpi ne, %convert_element_type3A_230, %cond3A : i32
    scf.if %cond3A_231 {
      %broadcast_in_dim3A_238 = arith.constant 0.000000e+00 : f32
      %broadcast_in_dim3A_239 = vector.broadcast %broadcast_in_dim3A_238 : f32 to vector<1x1xf32>
      %swap3A_240 = arith.constant 0 : index
      %swap3A_241 = arith.constant 0 : index
      %swap3A_242 = vector.load %arg19[%swap3A_240, %swap3A_241] : memref<1x1xf32, #tpu.memory_space<vmem>>, vector<1x1xf32>
      tpu.vector_store %arg19[%swap3A_240, %swap3A_241], %broadcast_in_dim3A_239 {strides = array<i32>} : memref<1x1xf32, #tpu.memory_space<vmem>>, vector<1x1xf32>,
    } else {
    }
    %get3A_232 = arith.constant 0 : index
    %get3A_233 = arith.constant 0 : index
    %get3A_234 = vector.load %arg19[%get3A_232, %get3A_233] : memref<1x1xf32, #tpu.memory_space<vmem>>, vector<1x1xf32>
    %broadcast_in_dim3A = vector.broadcast %add3A_224 : f32 to vector<1x1xf32>
    %add3A_235 = arith.addf %get3A_234, %broadcast_in_dim3A : vector<1x1xf32>
    %swap3A = arith.constant 0 : index
    %swap3A_236 = arith.constant 0 : index
    %swap3A_237 = vector.load %arg19[%swap3A, %swap3A_236] : memref<1x1xf32, #tpu.memory_space<vmem>>, vector<1x1xf32>
    tpu.vector_store %arg19[%swap3A, %swap3A_236], %add3A_235 {strides = array<i32>} : memref<1x1xf32, #tpu.memory_space<vmem>>, vector<1x1xf32>,
    return
  }
  func.func @transform_0(%arg0: i32, %arg1: i32) -> (i32, i32) {
    %mul3A = arith.constant 4 : i32
    %mul3A_0 = arith.muli %mul3A, %arg0 : i32
    %add3A = arith.addi %mul3A_0, %arg1 : i32
    %c0_i32 = arith.constant 0 : i32
    %c0_i32_1 = arith.constant 0 : i32
    return %add3A, %c0_i32 : i32, i32
  }
  func.func @transform_1(%arg0: i32, %arg1: i32) -> (i32, i32) {
    %mul3A = arith.constant 8 : i32
    %mul3A_0 = arith.muli %mul3A, %arg0 : i32
    %add3A = arith.constant 0 : i32
    %add3A_1 = arith.addi %mul3A_0, %add3A : i32
    %mul3A_2 = arith.constant 4 : i32
    %mul3A_3 = arith.muli %mul3A_2, %add3A_1 : i32
    %add3A_4 = arith.addi %mul3A_3, %arg1 : i32
    %c0_i32 = arith.constant 0 : i32
    %c0_i32_5 = arith.constant 0 : i32
    return %add3A_4, %c0_i32 : i32, i32
  }
  func.func @transform_2(%arg0: i32, %arg1: i32) -> (i32, i32) {
    %mul3A = arith.constant 8 : i32
    %mul3A_0 = arith.muli %mul3A, %arg0 : i32
    %add3A = arith.constant 1 : i32
    %add3A_1 = arith.addi %mul3A_0, %add3A : i32
    %mul3A_2 = arith.constant 4 : i32
    %mul3A_3 = arith.muli %mul3A_2, %add3A_1 : i32
    %add3A_4 = arith.addi %mul3A_3, %arg1 : i32
    %c0_i32 = arith.constant 0 : i32
    %c0_i32_5 = arith.constant 0 : i32
    return %add3A_4, %c0_i32 : i32, i32
  }
  func.func @transform_3(%arg0: i32, %arg1: i32) -> (i32, i32) {
    %mul3A = arith.constant 8 : i32
    %mul3A_0 = arith.muli %mul3A, %arg0 : i32
    %add3A = arith.constant 2 : i32
    %add3A_1 = arith.addi %mul3A_0, %add3A : i32
    %mul3A_2 = arith.constant 4 : i32
    %mul3A_3 = arith.muli %mul3A_2, %add3A_1 : i32
    %add3A_4 = arith.addi %mul3A_3, %arg1 : i32
    %c0_i32 = arith.constant 0 : i32
    %c0_i32_5 = arith.constant 0 : i32
    return %add3A_4, %c0_i32 : i32, i32
  }
  func.func @transform_4(%arg0: i32, %arg1: i32) -> (i32, i32) {
    %mul3A = arith.constant 8 : i32
    %mul3A_0 = arith.muli %mul3A, %arg0 : i32
    %add3A = arith.constant 3 : i32
    %add3A_1 = arith.addi %mul3A_0, %add3A : i32
    %mul3A_2 = arith.constant 4 : i32
    %mul3A_3 = arith.muli %mul3A_2, %add3A_1 : i32
    %add3A_4 = arith.addi %mul3A_3, %arg1 : i32
    %c0_i32 = arith.constant 0 : i32
    %c0_i32_5 = arith.constant 0 : i32
    return %add3A_4, %c0_i32 : i32, i32
  }
  func.func @transform_5(%arg0: i32, %arg1: i32) -> (i32, i32) {
    %mul3A = arith.constant 8 : i32
    %mul3A_0 = arith.muli %mul3A, %arg0 : i32
    %add3A = arith.constant 4 : i32
    %add3A_1 = arith.addi %mul3A_0, %add3A : i32
    %mul3A_2 = arith.constant 4 : i32
    %mul3A_3 = arith.muli %mul3A_2, %add3A_1 : i32
    %add3A_4 = arith.addi %mul3A_3, %arg1 : i32
    %c0_i32 = arith.constant 0 : i32
    %c0_i32_5 = arith.constant 0 : i32
    return %add3A_4, %c0_i32 : i32, i32
  }
  func.func @transform_6(%arg0: i32, %arg1: i32) -> (i32, i32) {
    %mul3A = arith.constant 8 : i32
    %mul3A_0 = arith.muli %mul3A, %arg0 : i32
    %add3A = arith.constant 5 : i32
    %add3A_1 = arith.addi %mul3A_0, %add3A : i32
    %mul3A_2 = arith.constant 4 : i32
    %mul3A_3 = arith.muli %mul3A_2, %add3A_1 : i32
    %add3A_4 = arith.addi %mul3A_3, %arg1 : i32
    %c0_i32 = arith.constant 0 : i32
    %c0_i32_5 = arith.constant 0 : i32
    return %add3A_4, %c0_i32 : i32, i32
  }
  func.func @transform_7(%arg0: i32, %arg1: i32) -> (i32, i32) {
    %mul3A = arith.constant 8 : i32
    %mul3A_0 = arith.muli %mul3A, %arg0 : i32
    %add3A = arith.constant 6 : i32
    %add3A_1 = arith.addi %mul3A_0, %add3A : i32
    %mul3A_2 = arith.constant 4 : i32
    %mul3A_3 = arith.muli %mul3A_2, %add3A_1 : i32
    %add3A_4 = arith.addi %mul3A_3, %arg1 : i32
    %c0_i32 = arith.constant 0 : i32
    %c0_i32_5 = arith.constant 0 : i32
    return %add3A_4, %c0_i32 : i32, i32
  }
  func.func @transform_8(%arg0: i32, %arg1: i32) -> (i32, i32) {
    %mul3A = arith.constant 8 : i32
    %mul3A_0 = arith.muli %mul3A, %arg0 : i32
    %add3A = arith.constant 7 : i32
    %add3A_1 = arith.addi %mul3A_0, %add3A : i32
    %mul3A_2 = arith.constant 4 : i32
    %mul3A_3 = arith.muli %mul3A_2, %add3A_1 : i32
    %add3A_4 = arith.addi %mul3A_3, %arg1 : i32
    %c0_i32 = arith.constant 0 : i32
    %c0_i32_5 = arith.constant 0 : i32
    return %add3A_4, %c0_i32 : i32, i32
  }
  func.func @transform_9(%arg0: i32, %arg1: i32) -> (i32, i32) {
    %mul3A = arith.constant 8 : i32
    %mul3A_0 = arith.muli %mul3A, %arg0 : i32
    %add3A = arith.constant 0 : i32
    %add3A_1 = arith.addi %mul3A_0, %add3A : i32
    %mul3A_2 = arith.constant 4 : i32
    %mul3A_3 = arith.muli %mul3A_2, %add3A_1 : i32
    %add3A_4 = arith.addi %mul3A_3, %arg1 : i32
    %c0_i32 = arith.constant 0 : i32
    %c0_i32_5 = arith.constant 0 : i32
    return %add3A_4, %c0_i32 : i32, i32
  }
  func.func @transform_10(%arg0: i32, %arg1: i32) -> (i32, i32) {
    %mul3A = arith.constant 8 : i32
    %mul3A_0 = arith.muli %mul3A, %arg0 : i32
    %add3A = arith.constant 1 : i32
    %add3A_1 = arith.addi %mul3A_0, %add3A : i32
    %mul3A_2 = arith.constant 4 : i32
    %mul3A_3 = arith.muli %mul3A_2, %add3A_1 : i32
    %add3A_4 = arith.addi %mul3A_3, %arg1 : i32
    %c0_i32 = arith.constant 0 : i32
    %c0_i32_5 = arith.constant 0 : i32
    return %add3A_4, %c0_i32 : i32, i32
  }
  func.func @transform_11(%arg0: i32, %arg1: i32) -> (i32, i32) {
    %mul3A = arith.constant 8 : i32
    %mul3A_0 = arith.muli %mul3A, %arg0 : i32
    %add3A = arith.constant 2 : i32
    %add3A_1 = arith.addi %mul3A_0, %add3A : i32
    %mul3A_2 = arith.constant 4 : i32
    %mul3A_3 = arith.muli %mul3A_2, %add3A_1 : i32
    %add3A_4 = arith.addi %mul3A_3, %arg1 : i32
    %c0_i32 = arith.constant 0 : i32
    %c0_i32_5 = arith.constant 0 : i32
    return %add3A_4, %c0_i32 : i32, i32
  }
  func.func @transform_12(%arg0: i32, %arg1: i32) -> (i32, i32) {
    %mul3A = arith.constant 8 : i32
    %mul3A_0 = arith.muli %mul3A, %arg0 : i32
    %add3A = arith.constant 3 : i32
    %add3A_1 = arith.addi %mul3A_0, %add3A : i32
    %mul3A_2 = arith.constant 4 : i32
    %mul3A_3 = arith.muli %mul3A_2, %add3A_1 : i32
    %add3A_4 = arith.addi %mul3A_3, %arg1 : i32
    %c0_i32 = arith.constant 0 : i32
    %c0_i32_5 = arith.constant 0 : i32
    return %add3A_4, %c0_i32 : i32, i32
  }
  func.func @transform_13(%arg0: i32, %arg1: i32) -> (i32, i32) {
    %mul3A = arith.constant 8 : i32
    %mul3A_0 = arith.muli %mul3A, %arg0 : i32
    %add3A = arith.constant 4 : i32
    %add3A_1 = arith.addi %mul3A_0, %add3A : i32
    %mul3A_2 = arith.constant 4 : i32
    %mul3A_3 = arith.muli %mul3A_2, %add3A_1 : i32
    %add3A_4 = arith.addi %mul3A_3, %arg1 : i32
    %c0_i32 = arith.constant 0 : i32
    %c0_i32_5 = arith.constant 0 : i32
    return %add3A_4, %c0_i32 : i32, i32
  }
  func.func @transform_14(%arg0: i32, %arg1: i32) -> (i32, i32) {
    %mul3A = arith.constant 8 : i32
    %mul3A_0 = arith.muli %mul3A, %arg0 : i32
    %add3A = arith.constant 5 : i32
    %add3A_1 = arith.addi %mul3A_0, %add3A : i32
    %mul3A_2 = arith.constant 4 : i32
    %mul3A_3 = arith.muli %mul3A_2, %add3A_1 : i32
    %add3A_4 = arith.addi %mul3A_3, %arg1 : i32
    %c0_i32 = arith.constant 0 : i32
    %c0_i32_5 = arith.constant 0 : i32
    return %add3A_4, %c0_i32 : i32, i32
  }
  func.func @transform_15(%arg0: i32, %arg1: i32) -> (i32, i32) {
    %mul3A = arith.constant 8 : i32
    %mul3A_0 = arith.muli %mul3A, %arg0 : i32
    %add3A = arith.constant 6 : i32
    %add3A_1 = arith.addi %mul3A_0, %add3A : i32
    %mul3A_2 = arith.constant 4 : i32
    %mul3A_3 = arith.muli %mul3A_2, %add3A_1 : i32
    %add3A_4 = arith.addi %mul3A_3, %arg1 : i32
    %c0_i32 = arith.constant 0 : i32
    %c0_i32_5 = arith.constant 0 : i32
    return %add3A_4, %c0_i32 : i32, i32
  }
  func.func @transform_16(%arg0: i32, %arg1: i32) -> (i32, i32) {
    %mul3A = arith.constant 8 : i32
    %mul3A_0 = arith.muli %mul3A, %arg0 : i32
    %add3A = arith.constant 7 : i32
    %add3A_1 = arith.addi %mul3A_0, %add3A : i32
    %mul3A_2 = arith.constant 4 : i32
    %mul3A_3 = arith.muli %mul3A_2, %add3A_1 : i32
    %add3A_4 = arith.addi %mul3A_3, %arg1 : i32
    %c0_i32 = arith.constant 0 : i32
    %c0_i32_5 = arith.constant 0 : i32
    return %add3A_4, %c0_i32 : i32, i32
  }
  func.func @transform_17(%arg0: i32, %arg1: i32) -> (i32, i32) {
    %c0_i32 = arith.constant 0 : i32
    %c0_i32_0 = arith.constant 0 : i32
    %c0_i32_1 = arith.constant 0 : i32
    return %c0_i32, %c0_i32_0 : i32, i32
  }
}

module attributes {stable_mosaic.version = 14 : i64} {
  func.func @_combine_body(%arg0: memref<1x1xf32, #tpu.memory_space<vmem>>, %arg1: memref<1x1xf32, #tpu.memory_space<vmem>>, %arg2: memref<1x1xf32, #tpu.memory_space<vmem>>, %arg3: memref<1x1xf32, #tpu.memory_space<vmem>>, %arg4: memref<32x16xf32, #tpu.memory_space<vmem>>, %arg5: memref<1x1xf32, #tpu.memory_space<vmem>>, %arg6: memref<1x1xf32, #tpu.memory_space<vmem>>, %arg7: memref<1x1xf32, #tpu.memory_space<vmem>>) attributes {dimension_semantics = [], scalar_prefetch = 0 : i64, scratch_operands = 0 : i64, tpu.core_type = #tpu.core_type<tc>} {
    %get3A = arith.constant 0 : index
    %get3A_0 = arith.constant 0 : index
    %get3A_1 = vector.load %arg0[%get3A, %get3A_0] : memref<1x1xf32, #tpu.memory_space<vmem>>, vector<1x1xf32>
    %get3A_2 = arith.constant 0 : index
    %get3A_3 = arith.constant 0 : index
    %get3A_4 = vector.load %arg2[%get3A_2, %get3A_3] : memref<1x1xf32, #tpu.memory_space<vmem>>, vector<1x1xf32>
    %mul3A = arith.mulf %get3A_1, %get3A_4 : vector<1x1xf32>
    %mul3A_5 = arith.constant 8.4771051E-7 : f32
    %mul3A_6 = vector.broadcast %mul3A_5 : f32 to vector<1x1xf32>
    %mul3A_7 = arith.mulf %mul3A, %mul3A_6 : vector<1x1xf32>
    %get3A_8 = arith.constant 0 : index
    %get3A_9 = arith.constant 0 : index
    %get3A_10 = vector.load %arg1[%get3A_8, %get3A_9] : memref<1x1xf32, #tpu.memory_space<vmem>>, vector<1x1xf32>
    %mul3A_11 = arith.constant 5.000000e-01 : f32
    %mul3A_12 = vector.broadcast %mul3A_11 : f32 to vector<1x1xf32>
    %mul3A_13 = arith.mulf %get3A_10, %mul3A_12 : vector<1x1xf32>
    %get3A_14 = arith.constant 0 : index
    %get3A_15 = arith.constant 0 : index
    %get3A_16 = vector.load %arg4[%get3A_14, %get3A_15] : memref<32x16xf32, #tpu.memory_space<vmem>>, vector<32x16xf32>
    %reduce_sum3A = vector.shape_cast %get3A_16 : vector<32x16xf32> to vector<1x32x16xf32>
    %reduce_sum3A_17 = arith.constant dense<0.000000e+00> : vector<1xf32>
    %reduce_sum3A_18 = vector.multi_reduction <add>, %reduce_sum3A, %reduce_sum3A_17 [1, 2] : vector<1x32x16xf32> to vector<1xf32>
    %reduce_sum3A_19 = vector.shape_cast %reduce_sum3A_18 : vector<1xf32> to vector<1x1x1xf32>
    %reduce_sum3A_20 = vector.extract %reduce_sum3A_19[0, 0, 0] : f32 from vector<1x1x1xf32>
    %broadcast_in_dim3A = vector.broadcast %reduce_sum3A_20 : f32 to vector<1x1xf32>
    %get3A_21 = arith.constant 0 : index
    %get3A_22 = arith.constant 0 : index
    %get3A_23 = vector.load %arg3[%get3A_21, %get3A_22] : memref<1x1xf32, #tpu.memory_space<vmem>>, vector<1x1xf32>
    %add3A = arith.addf %broadcast_in_dim3A, %get3A_23 : vector<1x1xf32>
    %mul3A_24 = arith.mulf %mul3A_13, %add3A : vector<1x1xf32>
    %swap3A = arith.constant 0 : index
    %swap3A_25 = arith.constant 0 : index
    %swap3A_26 = vector.load %arg5[%swap3A, %swap3A_25] : memref<1x1xf32, #tpu.memory_space<vmem>>, vector<1x1xf32>
    tpu.vector_store %arg5[%swap3A, %swap3A_25], %mul3A_7 {strides = array<i32>} : memref<1x1xf32, #tpu.memory_space<vmem>>, vector<1x1xf32>,
    %swap3A_27 = arith.constant 0 : index
    %swap3A_28 = arith.constant 0 : index
    %swap3A_29 = vector.load %arg6[%swap3A_27, %swap3A_28] : memref<1x1xf32, #tpu.memory_space<vmem>>, vector<1x1xf32>
    tpu.vector_store %arg6[%swap3A_27, %swap3A_28], %mul3A_24 {strides = array<i32>} : memref<1x1xf32, #tpu.memory_space<vmem>>, vector<1x1xf32>,
    %add3A_30 = arith.addf %mul3A_7, %mul3A_24 : vector<1x1xf32>
    %swap3A_31 = arith.constant 0 : index
    %swap3A_32 = arith.constant 0 : index
    %swap3A_33 = vector.load %arg7[%swap3A_31, %swap3A_32] : memref<1x1xf32, #tpu.memory_space<vmem>>, vector<1x1xf32>
    tpu.vector_store %arg7[%swap3A_31, %swap3A_32], %add3A_30 {strides = array<i32>} : memref<1x1xf32, #tpu.memory_space<vmem>>, vector<1x1xf32>,
    return
  }
}

</mosaic_0001>

<sc_bundles>
// kernel: kernel.6.cloned.1.call-start
scs
__scs_entry_jumppad:
0x0: {  	(pc) =	sbr.rel $0x88, $3  }
0x1: {  	(tag) =	ssettag $0x0;
	lr =	simm.s32 $0x1  }
0x2: {  	[smem:$0x3F9B] =	sst lr;
	_ =	strace $0xD0000000  }
0x3: {  	_ = 	snop  }
0x4: {  	_ = 	snop  }
0x5: {  	_ = 	snop  }
0x6: {  	_ = 	snop  }
0x7: {  	_ = 	snop  }
__scs_overlays_trampoline_lowered:
0x8: {  	[smem:$0x3FAA] =	sst s0  }
0x9: {  	[smem:$0x3FAB] =	sst s1  }
0xa: {  	[smem:$0x3FAC] =	sst s2  }
0xb: {  	[smem:$0x3FAD] =	sst s3  }
0xc: {  	[smem:$0x3FAE] =	sst s4  }
0xd: {  	[smem:$0x3FAF] =	sst s5  }
0xe: {  	[smem:$0x3FB0] =	sst s6  }
0xf: {  	[smem:$0x3FB1] =	sst s7  }
0x10: {  	[smem:$0x3FB2] =	sst s8  }
0x11: {  	[smem:$0x3FB3] =	sst s9;
	s0 =	simm.s32 @!p0 $0x0  }
0x12: {  	s1 =	sld [smem:$0x3F99];
	s0 =	simm.s32 @p0 $0x1  }
0x13: {  	[smem:$0x3FB4] =	sst s0;
	s0 =	simm.s32 @!p1 $0x0  }
0x14: {  	s2 =	sld [smem:$0x3F98];
	s0 =	simm.s32 @p1 $0x1  }
0x15: {  	[smem:$0x3FB5] =	sst s0;
	s0 =	simm.s32 @!p2 $0x0  }
0x16: {  	s3 =	sld [smem:$0x3FDB];
	s0 =	simm.s32 @p2 $0x1  }
0x17: {  	s4 =	simm.s32 $0x1BF5;
	[smem:$0x3FB7] =	sst s0  }
0x18: {  	s0 =	sld [smem:$0x3F9A];
	_ =	swait.ge [sflag:s4], $0x0  }
0x19: {  	s7 =	sld [smem:$0x3F9B]  }
0x1a: {  	s8 =	sadd.s32 $0xFFFFE003, lr  }
0x1b: {  	s9 =	sadd.s32 $0xFFFFFEF7, lr;
	s5 =	simm.s32 $0xFFFFFFFF;
	p2 =	slt.u32 s8, $0xFFFFF086  }
0x1c: {  	p1 =	slt.u32 s9, $0xF7A;
	s5 =	simm.s32 @!p2 $0x0  }
0x1d: {  	s5 =	simm.s32 @p1 $0x1;
	p0 =	seq.s32 s7, s2  }
0x1e: {  	s7 =	smul.u32 @!p0 $0xF7A, s2;
	p2 =	seq.s32 @!p0 s5, $0x0  }
0x1f: {  	s9 =	smul.u32 $0xF7A, s1;
	s8 =	simm.s32 @!p0 $0x1BF5;
	p2 =	por !p2, p0  }
0x20: {  	[sflag:s8] =	ssyncset.s32 @!p0 $0xFFFFF086;
	s6 =	sadd.s32 @!p0 s3, s7;
	s7 =	simm.s32 @!p0 $0x108  }
0x21: {  	s3 =	sadd.s32 s3, s9;
	s6 =	sadd.s32 @!p0 $0x88, s6;
	s7 =	simm.s32 @p2 $0x1082  }
0x22: {  	[simem:s7], [sflag:s8] =	dma.local @!p0 [hbm:s6], $0xF7A  }
0x23: {  	s9 =	sor.u32 $0xD0000000, s2;
	s6 =	simm.s32 $0x108;
	_ =	swait.ge @!p0 [sflag:s8], $0x0  }
0x24: {  	s3 =	sadd.s32 $0x88, s3;
	s6 =	simm.s32 @!p1 $0x1082;
	[sflag:s4] =	ssyncset.s32 $0xFFFFF086  }
0x25: {  	[simem:s6], [sflag:s4] =	dma.local [hbm:s3], $0xF7A  }
0x26: {  	[smem:$0x3F9B] =	sst s1;
	(tag) =	ssettag s2;
	_ =	strace s9  }
0x27: {  	s1 =	sld [smem:$0x3FAB]  }
0x28: {  	s2 =	sld [smem:$0x3FAC]  }
0x29: {  	s4 =	sld [smem:$0x3FAE]  }
0x2a: {  	p0 =	seq.s32 s5, $0x0;
	s5 =	sld [smem:$0x3FAF]  }
0x2b: {  	s6 =	sld [smem:$0x3FB0]  }
0x2c: {  	s7 =	sld [smem:$0x3FB1]  }
0x2d: {  	s3 =	simm.s32 $0x108;
	s8 =	sld [smem:$0x3FB2]  }
0x2e: {  	s3 =	simm.s32 @!p0 $0x1082;
	s9 =	sld [smem:$0x3FB3]  }
0x2f: {  	lr =	sadd.s32 s0, s3;
	s0 =	sld [smem:$0x3FAA]  }
0x30: {  	s3 =	sld [smem:$0x3FAD]  }
0x31: {  	[smem:$0x3FB6] =	sst s10  }
0x32: {  	s10 =	sld [smem:$0x3FB4];
	_ =	sdelay $0x3  }
0x33: {  	p0 =	seq.s32 s10, $0x1;
	s10 =	sld [smem:$0x3FB6];
	_ =	sdelay $0x3  }
0x34: {  	[smem:$0x3FB6] =	sst s10  }
0x35: {  	s10 =	sld [smem:$0x3FB5];
	_ =	sdelay $0x3  }
0x36: {  	p1 =	seq.s32 s10, $0x1;
	s10 =	sld [smem:$0x3FB6];
	_ =	sdelay $0x3  }
0x37: {  	[smem:$0x3FB6] =	sst s10  }
0x38: {  	s10 =	sld [smem:$0x3FB7]  }
0x39: {  	_ = 	snop;
	(pc) =	sbr.ind lr, $3  }
0x3a: {  	_ = 	snop  }
0x3b: {  	_ = 	snop  }
0x3c: {  	p2 =	seq.s32 s10, $0x1;
	s10 =	sld [smem:$0x3FB6]  }
0x3d: {  	_ =	shalt  }
0x3e: {  	_ =	shalt  }
0x3f: {  	_ =	shalt  }
0x40: {  	_ =	shalt  }
0x41: {  	_ =	shalt  }
0x42: {  	_ =	shalt  }
0x43: {  	_ =	shalt  }
0x44: {  	_ =	shalt  }
0x45: {  	_ =	shalt  }
0x46: {  	_ =	shalt  }
0x47: {  	_ =	shalt  }
0x48: {  	_ =	shalt  }
0x49: {  	_ =	shalt  }
0x4a: {  	_ =	shalt  }
0x4b: {  	_ =	shalt  }
0x4c: {  	_ =	shalt  }
0x4d: {  	_ =	shalt  }
0x4e: {  	_ =	shalt  }
0x4f: {  	_ =	shalt  }
0x50: {  	_ =	shalt  }
0x51: {  	_ =	shalt  }
0x52: {  	_ =	shalt  }
0x53: {  	_ =	shalt  }
0x54: {  	_ =	shalt  }
0x55: {  	_ =	shalt  }
0x56: {  	_ =	shalt  }
0x57: {  	_ =	shalt  }
0x58: {  	_ =	shalt  }
0x59: {  	_ =	shalt  }
0x5a: {  	_ =	shalt  }
0x5b: {  	_ =	shalt  }
0x5c: {  	_ =	shalt  }
0x5d: {  	_ =	shalt  }
0x5e: {  	_ =	shalt  }
0x5f: {  	_ =	shalt  }
0x60: {  	_ =	shalt  }
0x61: {  	_ =	shalt  }
0x62: {  	_ =	shalt  }
0x63: {  	_ =	shalt  }
0x64: {  	_ =	shalt  }
0x65: {  	_ =	shalt  }
0x66: {  	_ =	shalt  }
0x67: {  	_ =	shalt  }
0x68: {  	_ =	shalt  }
0x69: {  	_ =	shalt  }
0x6a: {  	_ =	shalt  }
0x6b: {  	_ =	shalt  }
0x6c: {  	_ =	shalt  }
0x6d: {  	_ =	shalt  }
0x6e: {  	_ =	shalt  }
0x6f: {  	_ =	shalt  }
0x70: {  	_ =	shalt  }
0x71: {  	_ =	shalt  }
0x72: {  	_ =	shalt  }
0x73: {  	_ =	shalt  }
0x74: {  	_ =	shalt  }
0x75: {  	_ =	shalt  }
0x76: {  	_ =	shalt  }
0x77: {  	_ =	shalt  }
0x78: {  	_ =	shalt  }
0x79: {  	_ =	shalt  }
0x7a: {  	_ =	shalt  }
0x7b: {  	_ =	shalt  }
0x7c: {  	_ =	shalt  }
0x7d: {  	_ =	shalt  }
0x7e: {  	_ =	shalt  }
0x7f: {  	_ =	shalt  }
0x80: {  	_ =	shalt  }
0x81: {  	_ =	shalt  }
0x82: {  	_ =	shalt  }
0x83: {  	_ =	shalt  }
0x84: {  	_ =	shalt  }
0x85: {  	_ =	shalt  }
0x86: {  	_ =	shalt  }
0x87: {  	_ =	shalt  }
.Lfunc_end0:
.L_simem_size_0:
called_computation_lowered:
.L_overlay_start_0:
0x88: {  	s2 =	sld [smem:$0x3FD9]  }
0x89: {  	s3 =	sld [smem:$0x3FFE];
	_ =	sdelay $0x1  }
0x8a: {  	s1 =	srdreg.scid  }
0x8b: {  	s0 =	sand.u32 $0x1, s1  }
0x8c: {  	s17 =	sshll.u32 s0, $0xA;
	s2 =	sadd.s32 s3, s2  }
0x8d: {  	s2 =	sadd.s32 s2, s17  }
0x8e: {  	[smem:$0x3FC2] =	sst s2  }
0x8f: {  	_ = 	snop  }
0x90: {  	s2 =	sld [smem:$0x3FC8]  }
0x91: {  	s18 =	sld [smem:$0x3FC7]  }
0x92: {  	s4 =	sld [smem:$0x3FC6];
	(tm) =	ssettm $0x1  }
0x93: {  	s5 =	sld [smem:$0x3FFB];
	_ =	sdelay $0x3  }
0x94: {  	_ =	strace s5  }
0x95: {  	s5 =	sld [smem:$0x3FFC];
	_ =	sdelay $0x3  }
0x96: {  	_ =	strace s5  }
0x97: {  	s5 =	sld [smem:$0x3FFD];
	_ =	sdelay $0x3  }
0x98: {  	_ =	strace s5  }
0x99: {  	_ =	strace $0x8FFFFFFF  }
0x9a: {  	s19 =	sld [smem:$0x3FDB];
	_ =	sdelay $0x1  }
0x9b: {  	s6 =	simm.s32 $_scs_section_size  }
0x9c: {  	s7 =	simm.s32 $_size__tile_overlayer_lowered;
	s8 =	simm.s32 $_tile_overlayer_lowered  }
0x9d: {  	s22 =	simm.s32 $0x1BFF;
	s21 =	sshll.u32 s8, $0x1;
	s5 =	sadd.s32 s6, s19  }
0x9e: {  	s9 =	simm.s32 $0x0;
	s20 =	sshll.u32 s7, $0x1;
	s7 =	sadd.s32 s21, s5  }
0x9f: {  	[timem:s9], [sflag:s22] =	dma.local [hbm:s7], s20  }
0xa0: {  	_ =	swait.ge [sflag:s22], s20  }
0xa1: {  	s6 =	ssub.s32 $0x0, s20;
	[sflag:s22] =	ssyncset.done $0x0  }
0xa2: {  	[sflag:s22] =	ssyncadd.s32 s6;
	_ =	sdelay $0x1  }
0xa3: {  	s23 =	simm.s32 $0x1B8B  }
0xa4: {  	_ =	swait.ge [sflag:s23], $0x1  }
0xa5: {  	[sflag:s23] =	ssyncset.done $0x0  }
0xa6: {  	s25 =	simm.s32 $0x1B8E;
	s24 =	sld [smem:$0x3FFE];
	[sflag:s23] =	ssyncadd.s32 $0xFFFFFFFF  }
0xa7: {  	s26 =	simm.s32 $execute0_lowered;
	[smem:$0x3FD2] =	sst s25  }
0xa8: {  	s7 =	sshll.u32 s26, $0x1;
	_ =	strace $0x80000046;
	[dreg:$0x1] =	wrdreg $0xFFFFFFFF  }
0xa9: {  	s28 =	simm.s32 $_size_execute0_lowered;
	s5 =	sadd.s32 s5, s7;
	[dreg:$0x0] =	wrdreg $0x0  }
0xaa: {  	s7 =	sshll.u32 s28, $0x1;
	[dreg:$0x2] =	wrdreg s5  }
0xab: {  	[dreg:$0x3] =	wrdreg s7  }
0xac: {  	[dreg:$0x4] =	wrdreg $0xC0  }
0xad: {  	_ =	task [dreg:s9], $0x5FFFF  }
0xae: {  	[dreg:$0x1] =	wrdreg $0xFFFFFFFF  }
0xaf: {  	[dreg:$0x0] =	wrdreg $0x60  }
0xb0: {  	[dreg:$0x2] =	wrdreg s2  }
0xb1: {  	[dreg:$0x3] =	wrdreg s4  }
0xb2: {  	[dreg:$0x4] =	wrdreg s18  }
0xb3: {  	[dreg:$0x5] =	wrdreg s24  }
0xb4: {  	[dreg:$0x6] =	wrdreg $0x9  }
0xb5: {  	_ =	task.clear_ibuf [dreg:s9], $0x7FFFF;
	_ =	strace $0x90000046  }
0xb6: {  	s29 =	simm.s32 $0x9;
	_ =	strace $0x80000048  }
0xb7: {  	_ =	swait.ge [sflag:s29], $0x1  }
0xb8: {  	[sflag:s29] =	ssyncadd.s32 $0xFFFFFFFF  }
0xb9: {  	_ =	strace $0x90000048  }
0xba: {  	_ =	sfence  }
0xbb: {  	s30 =	sld [smem:$0x0];
	_ =	sdelay $0x2  }
0xbc: {  	s31 =	sshll.u32 s1, $0xD;
	s1 =	sshrl.u32 s1, $0x2  }
0xbd: {  	s3 =	sand.u32 $0x4000, s31;
	s1 =	sadd.s32 s1, s30  }
0xbe: {  	s0 =	sor.u32 s3, s0;
	s1 =	sshll.u32 s1, $0x11  }
0xbf: {  	s0 =	sor.u32 s1, s0  }
0xc0: {  	s0 =	sadd.s32 $0x8F2B, s0  }
0xc1: {  	[sflag:s0] =	ssyncadd.remote.s32 $0x1  }
0xc2: {  	_ =	sfence.sel $0xFFFF  }
0xc3: {  	[dreg:$0x0] =	wrdreg $0xFFFFFFFF;
	(pc) =	sbr.abs _section_cstart, $3  }
0xc4: {  	[dreg:$0x1] =	wrdreg $0xFFFFFFFF  }
0xc5: {  	_ =	task.clear_ibuf [dreg:s9], $0x2FFFF;
	_ =	strace $0x9FFFFFFF  }
0xc6: {  	(tm) =	ssettm $0x7FFFFFFF  }
0xc7: {  	_ =	shalt  }
tec
execute0_lowered:
.L_overlay_start_1:
0x0: {  	(tag) =	ssettag $0x1  }
0x1: {  	s10 =	rddreg [dreg:$0x0]  }
0x2: {  	s11 =	rddreg [dreg:$0x1]  }
0x3: {  	s3 =	rddreg [dreg:$0x2]  }
0x4: {  	s4 =	rddreg [dreg:$0x3];
	s2 =	srdreg.scid  }
0x5: {  	s1 =	stileid.u32;
	s0 =	rddreg [dreg:$0x4];
	s15 =	simm.s32 $0x400  }
0x6: {  	s16 =	simm.s32 $0x3;
	s17 =	simm.s32 $0x4800;
	s18 =	simm.s32 $0xD800  }
0x7: {  	s19 =	simm.s32 $0x1;
	s20 =	simm.s32 $0x2;
	s21 =	simm.s32 $0x9000  }
0x8: {  	s22 =	simm.s32 $0x12000;
	s23 =	simm.s32 $0x16800;
	s24 =	simm.s32 $0x0  }
0x9: {  	s5 =	sand.u32 $0x1, s2;
	s6 =	sshll.u32 s1, $0x1;
	s2 =	simm.s32 $0x0  }
0xa: {  	s7 =	sshrl.u32 s1, $0x2;
	s6 =	sor.u32 s5, s6;
	[smem:$0x7FF] =	sst s2  }
0xb: {  	s7 =	smul.u32 $0x48000, s7;
	s25 =	ssub.s32 $0x2, s5;
	s8 =	sshll.u32 s6, $0x7  }
0xc: {  	_ =	strace $0x80000047;
	s9 =	sshll.u32 s6, $0x4;
	s6 =	smul.u32 $0x24000, s6  }
0xd: {  	s28 =	sshrl.u32 s25, $0x1;
	s8 =	sand.u32 $0x380, s8;
	s12 =	sadd.s32 s9, s4  }
0xe: {  	s14 =	ssub.s32 s25, s28;
	s7 =	sor.u32 s8, s7;
	s13 =	sshrl.u32 s6, $0x3  }
0xf: {  	s12 =	sadd.s32 $0xA00, s12;
	s26 =	sadd.s32 $0x24000, s7;
	s29 =	sadd.s32 $0x2400, s13  }
0x10: {  	s30 =	sadd.s32 $0x2D00, s13;
	s31 =	sadd.s32 $0x3600, s13;
	s13 =	sadd.s32 $0x3F00, s13  }
0x11: {  	s5 =	sshrl.u32 s26, $0x3;
	s4 =	sadd.s32 s10, s29;
	s6 =	sadd.s32 s10, s30  }
0x12: {  	s7 =	sadd.s32 s11, s30;
	s8 =	sadd.s32 s10, s31;
	s9 =	sadd.s32 s11, s31  }
0x13: {  	s10 =	sadd.s32 s10, s13;
	s3 =	sadd.s32 s3, s5;
	s5 =	sadd.s32 s11, s29  }
0x14: {  	s11 =	sadd.s32 s11, s13;
	s13 =	smax.u32 s14, $0x1;
	s14 =	simm.s32 $0x80  }
.LBB2_1:
0x15: {  	[tilespmem:s2], [sflag:$0x3] =	stream.strided.gather [hbm4b:s3+s14], $0x4800, s15, s14, $0x38;
	[tilespmem:$0x16880] =	vst v63  }
0x16: {  	_ =	swait.ge [sflag:s16], $0x4800  }
0x17: {  	[sflag:s16] =	ssyncset.done $0x0  }
0x18: {  	[sflag:s16] =	ssyncadd.s32 $0xFFFFB800  }
0x19: {  	[tilespmem:s17], [sflag:$0x1] =	stream.linear.gather [hbm4b:s4+s2], $0x4800, $0x38;
	[tilespmem:$0x16880] =	vst v63  }
0x1a: {  	_ = 	snop  }
0x1b: {  	[tilespmem:s18], [sflag:$0x2] =	stream.linear.gather [hbm4b:s5+s2], $0x4800, $0x38;
	[tilespmem:$0x16880] =	vst v63  }
0x1c: {  	_ =	swait.ge [sflag:s19], $0x4800  }
0x1d: {  	[sflag:s19] =	ssyncset.done $0x0  }
0x1e: {  	[sflag:s19] =	ssyncadd.s32 $0xFFFFB800  }
0x1f: {  	_ =	swait.ge [sflag:s20], $0x4800  }
0x20: {  	[sflag:s20] =	ssyncset.done $0x0  }
0x21: {  	s25 =	simm.s32 $0x4980;
	[sflag:s20] =	ssyncadd.s32 $0xFFFFB800  }
0x22: {  	[tilespmem:s21], [sflag:$0x1] =	stream.linear.gather [hbm4b:s6+s2], $0x4800, $0x38;
	[tilespmem:$0x16880] =	vst v63  }
0x23: {  	s26 =	simm.s32 $0xD980;
	s28 =	simm.s32 $0x0;
	s29 =	simm.s32 $0x0  }
0x24: {  	v0 =	vimm.f32 $0.0e+00;
	[tilespmem:s22], [sflag:$0x2] =	stream.linear.gather [hbm4b:s7+s2], $0x4800, $0x38;
	[tilespmem:$0x16880] =	vst v63  }
.LBB2_2:
0x25: {  	v3 =	vmov s25  }
0x26: {  	v2 =	vmov s26;
	_ =	sdelay $0x2  }
0x27: {  	s30 =	simm.s32 $0x0  }
0x28: {  	v4 =	vld.idx.msk [tilespmem:v3+s30+$0x0 ss:$0x1], $0xffff  }
0x29: {  	v5 =	vld.idx.msk [tilespmem:v2+s30+$0x0 ss:$0x1], $0xffff  }
0x2a: {  	v6 =	vld.idx.msk [tilespmem:v3+s30+$0xFFFFFE80 ss:$0x1], $0xffff  }
0x2b: {  	v7 =	vld.idx.msk [tilespmem:v2+s30+$0xFFFFFE80 ss:$0x1], $0xffff  }
0x2c: {  	v1 =	vmov s28;
	v8 =	vld.idx.msk [tilespmem:v3+s30+$0xFFFFFF00 ss:$0x1], $0xffff  }
0x2d: {  	v9 =	vld.idx.msk [tilespmem:v2+s30+$0xFFFFFF00 ss:$0x1], $0xffff  }
0x2e: {  	v10 =	vld.idx.msk [tilespmem:v3+s30+$0xFFFFFF80 ss:$0x1], $0xffff  }
0x2f: {  	v11 =	vld.idx.msk [tilespmem:v2+s30+$0xFFFFFF80 ss:$0x1], $0xffff  }
0x30: {  	v6 =	vsub.f32 v6, v7  }
0x31: {  	s31 =	simm.s32 $0x10;
	v14 =	vld.idx.msk [tilespmem:v1+s30+$0x0 ss:$0x1], $0xffff  }
0x32: {  	v12 =	vld.idx.msk [tilespmem:v3+s31+$0xFFFFFE80 ss:$0x1], $0xffff;
	v8 =	vsub.f32 v8, v9;
	v6 =	vand.u32 $0x7FFFFFFF, v6  }
0x33: {  	v15 =	vld.idx.msk [tilespmem:v3+s31+$0xFFFFFF00 ss:$0x1], $0xffff;
	v4 =	vsub.f32 v4, v5;
	v9 =	vadd.f32 v6, v6  }
0x34: {  	v16 =	vld.idx.msk [tilespmem:v2+s31+$0xFFFFFF00 ss:$0x1], $0xffff;
	v10 =	vsub.f32 v10, v11;
	v8 =	vand.u32 $0x7FFFFFFF, v8;
	v6 =	vmin.f32 v6, $1.000000000e+00  }
0x35: {  	v11 =	vld.idx.msk [tilespmem:v2+s31+$0xFFFFFE80 ss:$0x1], $0xffff;
	v13 =	vadd.f32 v8, v8;
	v9 =	vsub.f32 v9, v6  }
0x36: {  	v17 =	vld.idx.msk [tilespmem:v3+s31+$0xFFFFFF80 ss:$0x1], $0xffff;
	v4 =	vand.u32 $0x7FFFFFFF, v4;
	v10 =	vand.u32 $0x7FFFFFFF, v10;
	v8 =	vmin.f32 v8, $1.000000000e+00  }
0x37: {  	v7 =	vld.idx.msk [tilespmem:v3+s31+$0x0 ss:$0x1], $0xffff;
	v6 =	vmul.f32 v9, v6;
	v9 =	vsub.f32 v13, v8;
	v13 =	vadd.f32 v10, v10  }
0x38: {  	v5 =	vld.idx.msk [tilespmem:v2+s31+$0x0 ss:$0x1], $0xffff;
	v18 =	vmin.f32 v4, $1.000000000e+00;
	v4 =	vadd.f32 v4, v4;
	v10 =	vmin.f32 v10, $1.000000000e+00  }
0x39: {  	v19 =	vld.idx.msk [tilespmem:v2+s31+$0xFFFFFF80 ss:$0x1], $0xffff;
	v6 =	vmul.f32 v6, v14;
	v8 =	vmul.f32 v9, v8;
	v9 =	vsub.f32 v13, v10  }
0x3a: {  	v11 =	vsub.f32 v12, v11;
	v12 =	vsub.f32 v4, v18  }
0x3b: {  	s30 =	simm.s32 $0x20;
	v4 =	vld.idx.msk [tilespmem:v1+s31+$0x0 ss:$0x1], $0xffff;
	v6 =	vadd.f32 v6, v0;
	v13 =	vmul.f32 v8, v14;
	v9 =	vmul.f32 v9, v10  }
0x3c: {  	v20 =	vand.u32 $0x7FFFFFFF, v11;
	v63 =	vmul.f32 v12, v18;
	v0 =	vld.idx.msk [tilespmem:v3+s30+$0x0 ss:$0x1], $0xffff;
	v10 =	vsub.f32 v15, v16  }
0x3d: {  	v8 =	vsub.f32 v7, v5;
	v5 =	vld.idx.msk [tilespmem:v2+s30+$0x0 ss:$0x1], $0xffff;
	v13 =	vadd.f32 v13, v6;
	v15 =	vmul.f32 v9, v14  }
0x3e: {  	v11 =	vsub.f32 v17, v19;
	v12 =	vadd.f32 v20, v20;
	v7 =	vld.idx.msk [tilespmem:v2+s30+$0xFFFFFE80 ss:$0x1], $0xffff;
	v10 =	vand.u32 $0x7FFFFFFF, v10  }
0x3f: {  	s31 =	simm.s32 $0xC0;
	v6 =	vld.idx.msk [tilespmem:v3+s30+$0xFFFFFE80 ss:$0x1], $0xffff;
	v9 =	vmin.f32 v20, $1.000000000e+00;
	v14 =	vmul.f32 v63, v14;
	v13 =	vadd.f32 v15, v13  }
.LBB2_3:
0x40: {  	p0 =	sne.s32 s31, $0x1C0;
	v15 =	vld.idx.msk [tilespmem:v3+s30+$0xFFFFFF00 ss:$0x1], $0xffff;
	v12 =	vsub.f32 v12, v9;
	v16 =	vadd.f32 v10, v10;
	v8 =	vand.u32 $0x7FFFFFFF, v8  }
0x41: {  	v10 =	vmin.f32 v10, $1.000000000e+00;
	v11 =	vand.u32 $0x7FFFFFFF, v11;
	v17 =	vld.idx.msk [tilespmem:v2+s30+$0xFFFFFF00 ss:$0x1], $0xffff;
	v13 =	vadd.f32 v14, v13;
	v14 =	vmovc v4  }
0x42: {  	v18 =	vld.idx.msk [tilespmem:v3+s30+$0xFFFFFF80 ss:$0x1], $0xffff;
	v4 =	vmul.f32 v12, v9;
	v9 =	vsub.f32 v16, v10;
	v12 =	vadd.f32 v11, v11  }
0x43: {  	v19 =	vmin.f32 v8, $1.000000000e+00;
	v8 =	vadd.f32 v8, v8;
	v11 =	vmin.f32 v11, $1.000000000e+00;
	v16 =	vld.idx.msk [tilespmem:v2+s30+$0xFFFFFF80 ss:$0x1], $0xffff  }
0x44: {  	v20 =	vmul.f32 v4, v14;
	v9 =	vmul.f32 v9, v10;
	v10 =	vsub.f32 v12, v11  }
0x45: {  	v6 =	vsub.f32 v6, v7;
	v7 =	vsub.f32 v8, v19  }
.Ltmp0:
0x46: {  	v4 =	vld.idx.msk [tilespmem:v1+s30+$0x0 ss:$0x1], $0xffff;
	s30 =	sshra.s32 s31, $0x2;
	v12 =	vadd.f32 v20, v13;
	v9 =	vmul.f32 v9, v14;
	v10 =	vmul.f32 v10, v11;
	(pc) =	sbr.rel @p0 .LBB2_3-.Ltmp0, $4  }
0x47: {  	v8 =	vsub.f32 v0, v5;
	v13 =	vand.u32 $0x7FFFFFFF, v6;
	v11 =	vsub.f32 v15, v17;
	v0 =	vld.idx.msk [tilespmem:v3+s30+$0x0 ss:$0x1], $0xffff  }
0x48: {  	v19 =	vmul.f32 v7, v19;
	v5 =	vld.idx.msk [tilespmem:v2+s30+$0x0 ss:$0x1], $0xffff;
	v15 =	vadd.f32 v9, v12;
	v17 =	vmul.f32 v10, v14  }
0x49: {  	v12 =	vadd.f32 v13, v13;
	v10 =	vand.u32 $0x7FFFFFFF, v11;
	v11 =	vsub.f32 v18, v16;
	v6 =	vld.idx.msk [tilespmem:v3+s30+$0xFFFFFE80 ss:$0x1], $0xffff  }
0x4a: {  	s31 =	sadd.s32 $0x40, s31;
	v9 =	vmin.f32 v13, $1.000000000e+00;
	v14 =	vmul.f32 v19, v14;
	v7 =	vld.idx.msk [tilespmem:v2+s30+$0xFFFFFE80 ss:$0x1], $0xffff;
	v13 =	vadd.f32 v17, v15  }
0x4b: {  	_ =	sdelay $0x3  }
0x4c: {  	v16 =	vld.idx.msk [tilespmem:v3+s30+$0xFFFFFF00 ss:$0x1], $0xffff  }
0x4d: {  	v12 =	vsub.f32 v12, v9;
	v15 =	vadd.f32 v10, v10;
	v8 =	vand.u32 $0x7FFFFFFF, v8;
	v44 =	vld.idx.msk [tilespmem:v2+s30+$0xFFFFFF00 ss:$0x1], $0xffff  }
0x4e: {  	v43 =	vmin.f32 v10, $1.000000000e+00;
	v11 =	vand.u32 $0x7FFFFFFF, v11;
	v3 =	vld.idx.msk [tilespmem:v3+s30+$0xFFFFFF80 ss:$0x1], $0xffff;
	v13 =	vadd.f32 v14, v13  }
0x4f: {  	v2 =	vld.idx.msk [tilespmem:v2+s30+$0xFFFFFF80 ss:$0x1], $0xffff;
	v46 =	vadd.f32 v11, v11;
	v11 =	vmin.f32 v11, $1.000000000e+00;
	v17 =	vmin.f32 v8, $1.000000000e+00  }
0x50: {  	v8 =	vadd.f32 v8, v8;
	v9 =	vmul.f32 v12, v9;
	v45 =	vsub.f32 v15, v43  }
0x51: {  	v0 =	vsub.f32 v0, v5;
	v47 =	vsub.f32 v46, v11  }
0x52: {  	v48 =	vsub.f32 v8, v17;
	v9 =	vmul.f32 v9, v4;
	v10 =	vmul.f32 v45, v43  }
0x53: {  	v6 =	vsub.f32 v6, v7;
	v0 =	vand.u32 $0x7FFFFFFF, v0;
	v51 =	vmul.f32 v47, v11  }
0x54: {  	v52 =	vsub.f32 v16, v44;
	v7 =	vmul.f32 v48, v17;
	v2 =	vsub.f32 v3, v2  }
0x55: {  	v49 =	vadd.f32 v9, v13;
	v50 =	vmul.f32 v10, v4;
	v6 =	vand.u32 $0x7FFFFFFF, v6  }
0x56: {  	v54 =	vmul.f32 v51, v4;
	v55 =	vadd.f32 v6, v6;
	v56 =	vand.u32 $0x7FFFFFFF, v52  }
0x57: {  	v1 =	vld.idx.msk [tilespmem:v1+s30+$0x0 ss:$0x1], $0xffff;
	v3 =	vmin.f32 v6, $1.000000000e+00;
	v57 =	vmul.f32 v7, v4;
	v53 =	vadd.f32 v50, v49  }
0x58: {  	v2 =	vand.u32 $0x7FFFFFFF, v2;
	v58 =	vadd.f32 v56, v56;
	v6 =	vsub.f32 v55, v3  }
0x59: {  	v59 =	vmin.f32 v56, $1.000000000e+00;
	v61 =	vadd.f32 v2, v2;
	v2 =	vmin.f32 v2, $1.000000000e+00  }
0x5a: {  	v5 =	vadd.f32 v54, v53;
	v60 =	vsub.f32 v58, v59;
	v3 =	vmul.f32 v6, v3  }
0x5b: {  	v62 =	vmin.f32 v0, $1.000000000e+00;
	v0 =	vadd.f32 v0, v0;
	v6 =	vsub.f32 v61, v2  }
0x5c: {  	v4 =	vadd.f32 v57, v5;
	v5 =	vmul.f32 v60, v59;
	v3 =	vmul.f32 v3, v1  }
0x5d: {  	v0 =	vsub.f32 v0, v62  }
0x5e: {  	s29 =	sadd.s32 $0x1, s29;
	v2 =	vmul.f32 v6, v2;
	v63 =	vmul.f32 v5, v1;
	v3 =	vadd.f32 v3, v4  }
0x5f: {  	p0 =	sne.s32 s29, $0x24  }
.Ltmp1:
0x60: {  	v0 =	vmul.f32 v0, v62;
	v2 =	vmul.f32 v2, v1;
	v3 =	vadd.f32 v63, v3;
	(pc) =	sbr.rel @p0 .LBB2_2-.Ltmp1, $3  }
0x61: {  	_ = 	snop  }
0x62: {  	v0 =	vmul.f32 v0, v1;
	v2 =	vadd.f32 v2, v3;
	_ =	sdelay $0x1  }
0x63: {  	s28 =	sadd.s32 $0x80, s28;
	s25 =	sadd.s32 $0x200, s25;
	s26 =	sadd.s32 $0x200, s26;
	v0 =	vadd.f32 v0, v2  }
0x64: {  	_ =	swait.ge [sflag:s19], $0x4800  }
0x65: {  	[sflag:s19] =	ssyncset.done $0x0  }
0x66: {  	[sflag:s19] =	ssyncadd.s32 $0xFFFFB800  }
0x67: {  	_ =	swait.ge [sflag:s20], $0x4800  }
0x68: {  	[sflag:s20] =	ssyncset.done $0x0  }
0x69: {  	s25 =	simm.s32 $0x0;
	s26 =	simm.s32 $0x4800;
	[sflag:s20] =	ssyncadd.s32 $0xFFFFB800  }
0x6a: {  	[tilespmem:s26], [sflag:$0x1] =	stream.linear.gather [hbm4b:s8+s25], $0x4800, $0x38;
	[tilespmem:$0x16880] =	vst v63  }
0x6b: {  	s28 =	simm.s32 $0xD800;
	s29 =	simm.s32 $0x1200  }
0x6c: {  	v1 =	vimm.f32 $0.0e+00;
	[tilespmem:s28], [sflag:$0x2] =	stream.linear.gather [hbm4b:s9+s25], $0x4800, $0x38;
	[tilespmem:$0x16880] =	vst v63  }
.LBB2_6:
0x6d: {  	v4 =	vmov s26  }
0x6e: {  	v3 =	vmov s28;
	_ =	sdelay $0x2  }
0x6f: {  	s30 =	simm.s32 $0x0  }
0x70: {  	v5 =	vld.idx.msk [tilespmem:v4+s30+$0x4980 ss:$0x1], $0xffff  }
0x71: {  	v6 =	vld.idx.msk [tilespmem:v3+s30+$0x4980 ss:$0x1], $0xffff  }
0x72: {  	v7 =	vld.idx.msk [tilespmem:v4+s30+$0x4800 ss:$0x1], $0xffff  }
0x73: {  	v8 =	vld.idx.msk [tilespmem:v3+s30+$0x4800 ss:$0x1], $0xffff  }
0x74: {  	v2 =	vmov s29;
	v9 =	vld.idx.msk [tilespmem:v4+s30+$0x4880 ss:$0x1], $0xffff  }
0x75: {  	v10 =	vld.idx.msk [tilespmem:v3+s30+$0x4880 ss:$0x1], $0xffff  }
0x76: {  	v11 =	vld.idx.msk [tilespmem:v4+s30+$0x4900 ss:$0x1], $0xffff  }
0x77: {  	v12 =	vld.idx.msk [tilespmem:v3+s30+$0x4900 ss:$0x1], $0xffff  }
0x78: {  	v7 =	vsub.f32 v7, v8  }
0x79: {  	s31 =	simm.s32 $0x10;
	v15 =	vld.idx.msk [tilespmem:v2+s30+$0x0 ss:$0x1], $0xffff  }
0x7a: {  	v13 =	vld.idx.msk [tilespmem:v4+s31+$0x4800 ss:$0x1], $0xffff;
	v9 =	vsub.f32 v9, v10;
	v7 =	vand.u32 $0x7FFFFFFF, v7  }
0x7b: {  	v16 =	vld.idx.msk [tilespmem:v4+s31+$0x4880 ss:$0x1], $0xffff;
	v5 =	vsub.f32 v5, v6;
	v10 =	vadd.f32 v7, v7  }
0x7c: {  	v17 =	vld.idx.msk [tilespmem:v3+s31+$0x4880 ss:$0x1], $0xffff;
	v11 =	vsub.f32 v11, v12;
	v9 =	vand.u32 $0x7FFFFFFF, v9;
	v7 =	vmin.f32 v7, $1.000000000e+00  }
0x7d: {  	v12 =	vld.idx.msk [tilespmem:v3+s31+$0x4800 ss:$0x1], $0xffff;
	v14 =	vadd.f32 v9, v9;
	v10 =	vsub.f32 v10, v7  }
0x7e: {  	v8 =	vld.idx.msk [tilespmem:v4+s31+$0x4980 ss:$0x1], $0xffff;
	v5 =	vand.u32 $0x7FFFFFFF, v5;
	v11 =	vand.u32 $0x7FFFFFFF, v11;
	v9 =	vmin.f32 v9, $1.000000000e+00  }
0x7f: {  	v6 =	vld.idx.msk [tilespmem:v3+s31+$0x4980 ss:$0x1], $0xffff;
	v7 =	vmul.f32 v10, v7;
	v10 =	vsub.f32 v14, v9;
	v14 =	vadd.f32 v11, v11  }
0x80: {  	v18 =	vld.idx.msk [tilespmem:v4+s31+$0x4900 ss:$0x1], $0xffff;
	v19 =	vmin.f32 v5, $1.000000000e+00;
	v5 =	vadd.f32 v5, v5;
	v11 =	vmin.f32 v11, $1.000000000e+00  }
0x81: {  	v20 =	vld.idx.msk [tilespmem:v3+s31+$0x4900 ss:$0x1], $0xffff;
	v7 =	vmul.f32 v7, v15;
	v9 =	vmul.f32 v10, v9;
	v10 =	vsub.f32 v14, v11  }
0x82: {  	v12 =	vsub.f32 v13, v12;
	v13 =	vsub.f32 v5, v19  }
0x83: {  	s30 =	simm.s32 $0x20;
	v5 =	vld.idx.msk [tilespmem:v2+s31+$0x0 ss:$0x1], $0xffff;
	v7 =	vadd.f32 v7, v1;
	v14 =	vmul.f32 v9, v15;
	v10 =	vmul.f32 v10, v11  }
0x84: {  	v21 =	vand.u32 $0x7FFFFFFF, v12;
	v1 =	vld.idx.msk [tilespmem:v4+s30+$0x4980 ss:$0x1], $0xffff;
	v11 =	vsub.f32 v16, v17;
	v9 =	vsub.f32 v8, v6  }
0x85: {  	v6 =	vld.idx.msk [tilespmem:v3+s30+$0x4980 ss:$0x1], $0xffff;
	v17 =	vmul.f32 v13, v19;
	v14 =	vadd.f32 v14, v7;
	v16 =	vmul.f32 v10, v15  }
0x86: {  	v12 =	vsub.f32 v18, v20;
	v13 =	vadd.f32 v21, v21;
	v8 =	vld.idx.msk [tilespmem:v3+s30+$0x4800 ss:$0x1], $0xffff;
	v11 =	vand.u32 $0x7FFFFFFF, v11  }
0x87: {  	s31 =	simm.s32 $0xC0;
	v7 =	vld.idx.msk [tilespmem:v4+s30+$0x4800 ss:$0x1], $0xffff;
	v10 =	vmin.f32 v21, $1.000000000e+00;
	v15 =	vmul.f32 v17, v15;
	v14 =	vadd.f32 v16, v14  }
.LBB2_7:
0x88: {  	p0 =	sne.s32 s31, $0x1C0;
	v16 =	vld.idx.msk [tilespmem:v4+s30+$0x4880 ss:$0x1], $0xffff;
	v13 =	vsub.f32 v13, v10;
	v17 =	vadd.f32 v11, v11;
	v9 =	vand.u32 $0x7FFFFFFF, v9  }
0x89: {  	v11 =	vmin.f32 v11, $1.000000000e+00;
	v12 =	vand.u32 $0x7FFFFFFF, v12;
	v18 =	vld.idx.msk [tilespmem:v3+s30+$0x4880 ss:$0x1], $0xffff;
	v14 =	vadd.f32 v15, v14;
	v15 =	vmovc v5  }
0x8a: {  	v19 =	vld.idx.msk [tilespmem:v4+s30+$0x4900 ss:$0x1], $0xffff;
	v5 =	vmul.f32 v13, v10;
	v10 =	vsub.f32 v17, v11;
	v13 =	vadd.f32 v12, v12  }
0x8b: {  	v20 =	vmin.f32 v9, $1.000000000e+00;
	v9 =	vadd.f32 v9, v9;
	v12 =	vmin.f32 v12, $1.000000000e+00;
	v17 =	vld.idx.msk [tilespmem:v3+s30+$0x4900 ss:$0x1], $0xffff  }
0x8c: {  	v21 =	vmul.f32 v5, v15;
	v10 =	vmul.f32 v10, v11;
	v11 =	vsub.f32 v13, v12  }
0x8d: {  	v7 =	vsub.f32 v7, v8;
	v8 =	vsub.f32 v9, v20  }
.Ltmp2:
0x8e: {  	v5 =	vld.idx.msk [tilespmem:v2+s30+$0x0 ss:$0x1], $0xffff;
	s30 =	sshra.s32 s31, $0x2;
	v13 =	vadd.f32 v21, v14;
	v10 =	vmul.f32 v10, v15;
	v11 =	vmul.f32 v11, v12;
	(pc) =	sbr.rel @p0 .LBB2_7-.Ltmp2, $4  }
0x8f: {  	v9 =	vsub.f32 v1, v6;
	v14 =	vand.u32 $0x7FFFFFFF, v7;
	v12 =	vsub.f32 v16, v18;
	v1 =	vld.idx.msk [tilespmem:v4+s30+$0x4980 ss:$0x1], $0xffff  }
0x90: {  	v20 =	vmul.f32 v8, v20;
	v6 =	vld.idx.msk [tilespmem:v3+s30+$0x4980 ss:$0x1], $0xffff;
	v16 =	vadd.f32 v10, v13;
	v18 =	vmul.f32 v11, v15  }
0x91: {  	v13 =	vadd.f32 v14, v14;
	v11 =	vand.u32 $0x7FFFFFFF, v12;
	v12 =	vsub.f32 v19, v17;
	v7 =	vld.idx.msk [tilespmem:v4+s30+$0x4800 ss:$0x1], $0xffff  }
0x92: {  	s31 =	sadd.s32 $0x40, s31;
	v10 =	vmin.f32 v14, $1.000000000e+00;
	v15 =	vmul.f32 v20, v15;
	v8 =	vld.idx.msk [tilespmem:v3+s30+$0x4800 ss:$0x1], $0xffff;
	v14 =	vadd.f32 v18, v16  }
0x93: {  	_ =	sdelay $0x3  }
0x94: {  	v17 =	vld.idx.msk [tilespmem:v4+s30+$0x4880 ss:$0x1], $0xffff  }
0x95: {  	v13 =	vsub.f32 v13, v10;
	v16 =	vadd.f32 v11, v11;
	v9 =	vand.u32 $0x7FFFFFFF, v9;
	v42 =	vld.idx.msk [tilespmem:v3+s30+$0x4880 ss:$0x1], $0xffff  }
0x96: {  	v41 =	vmin.f32 v11, $1.000000000e+00;
	v12 =	vand.u32 $0x7FFFFFFF, v12;
	v45 =	vld.idx.msk [tilespmem:v4+s30+$0x4900 ss:$0x1], $0xffff;
	v14 =	vadd.f32 v15, v14  }
0x97: {  	v3 =	vld.idx.msk [tilespmem:v3+s30+$0x4900 ss:$0x1], $0xffff;
	v44 =	vadd.f32 v12, v12;
	v12 =	vmin.f32 v12, $1.000000000e+00;
	v18 =	vmin.f32 v9, $1.000000000e+00  }
0x98: {  	v9 =	vadd.f32 v9, v9;
	v10 =	vmul.f32 v13, v10;
	v43 =	vsub.f32 v16, v41  }
0x99: {  	v1 =	vsub.f32 v1, v6;
	v46 =	vsub.f32 v44, v12  }
0x9a: {  	v47 =	vsub.f32 v9, v18;
	v10 =	vmul.f32 v10, v5;
	v11 =	vmul.f32 v43, v41  }
0x9b: {  	v7 =	vsub.f32 v7, v8;
	v1 =	vand.u32 $0x7FFFFFFF, v1;
	v50 =	vmul.f32 v46, v12  }
0x9c: {  	v51 =	vsub.f32 v17, v42;
	v8 =	vmul.f32 v47, v18;
	v3 =	vsub.f32 v45, v3  }
0x9d: {  	v48 =	vadd.f32 v10, v14;
	v49 =	vmul.f32 v11, v5;
	v7 =	vand.u32 $0x7FFFFFFF, v7  }
0x9e: {  	v53 =	vmul.f32 v50, v5;
	v54 =	vadd.f32 v7, v7;
	v55 =	vand.u32 $0x7FFFFFFF, v51  }
0x9f: {  	v2 =	vld.idx.msk [tilespmem:v2+s30+$0x0 ss:$0x1], $0xffff;
	v56 =	vmin.f32 v7, $1.000000000e+00;
	v57 =	vmul.f32 v8, v5;
	v52 =	vadd.f32 v49, v48  }
0xa0: {  	v3 =	vand.u32 $0x7FFFFFFF, v3;
	v58 =	vadd.f32 v55, v55;
	v7 =	vsub.f32 v54, v56  }
0xa1: {  	v59 =	vmin.f32 v55, $1.000000000e+00;
	v61 =	vadd.f32 v3, v3;
	v3 =	vmin.f32 v3, $1.000000000e+00  }
0xa2: {  	v6 =	vadd.f32 v53, v52;
	v60 =	vsub.f32 v58, v59;
	v4 =	vmul.f32 v7, v56  }
0xa3: {  	v62 =	vmin.f32 v1, $1.000000000e+00;
	v1 =	vadd.f32 v1, v1;
	v7 =	vsub.f32 v61, v3  }
0xa4: {  	v5 =	vadd.f32 v57, v6;
	v6 =	vmul.f32 v60, v59;
	v4 =	vmul.f32 v4, v2  }
0xa5: {  	v1 =	vsub.f32 v1, v62  }
0xa6: {  	s25 =	sadd.s32 $0x1, s25;
	v3 =	vmul.f32 v7, v3;
	v63 =	vmul.f32 v6, v2;
	v4 =	vadd.f32 v4, v5  }
0xa7: {  	p0 =	sne.s32 s25, $0x24  }
.Ltmp3:
0xa8: {  	v1 =	vmul.f32 v1, v62;
	v3 =	vmul.f32 v3, v2;
	v4 =	vadd.f32 v63, v4;
	(pc) =	sbr.rel @p0 .LBB2_6-.Ltmp3, $3  }
0xa9: {  	_ = 	snop  }
0xaa: {  	v1 =	vmul.f32 v1, v2;
	v3 =	vadd.f32 v3, v4;
	_ =	sdelay $0x1  }
0xab: {  	s26 =	sadd.s32 $0x200, s26;
	s28 =	sadd.s32 $0x200, s28;
	s29 =	sadd.s32 $0x80, s29;
	v1 =	vadd.f32 v1, v3  }
0xac: {  	_ =	swait.ge [sflag:s19], $0x4800  }
0xad: {  	[sflag:s19] =	ssyncset.done $0x0  }
0xae: {  	[sflag:s19] =	ssyncadd.s32 $0xFFFFB800  }
0xaf: {  	_ =	swait.ge [sflag:s20], $0x4800  }
0xb0: {  	[sflag:s20] =	ssyncset.done $0x0  }
0xb1: {  	s25 =	simm.s32 $0x0;
	[sflag:s20] =	ssyncadd.s32 $0xFFFFB800  }
0xb2: {  	[tilespmem:s21], [sflag:$0x1] =	stream.linear.gather [hbm4b:s10+s25], $0x4800, $0x38;
	[tilespmem:$0x16880] =	vst v63  }
0xb3: {  	s26 =	simm.s32 $0x2400;
	s28 =	simm.s32 $0x4980;
	s29 =	simm.s32 $0xD980  }
0xb4: {  	v2 =	vimm.f32 $0.0e+00;
	[tilespmem:s22], [sflag:$0x2] =	stream.linear.gather [hbm4b:s11+s25], $0x4800, $0x38;
	[tilespmem:$0x16880] =	vst v63  }
.LBB2_10:
0xb5: {  	v5 =	vmov s28  }
0xb6: {  	v4 =	vmov s29;
	_ =	sdelay $0x2  }
0xb7: {  	s30 =	simm.s32 $0x0  }
0xb8: {  	v6 =	vld.idx.msk [tilespmem:v5+s30+$0x0 ss:$0x1], $0xffff  }
0xb9: {  	v7 =	vld.idx.msk [tilespmem:v4+s30+$0x0 ss:$0x1], $0xffff  }
0xba: {  	v8 =	vld.idx.msk [tilespmem:v5+s30+$0xFFFFFE80 ss:$0x1], $0xffff  }
0xbb: {  	v9 =	vld.idx.msk [tilespmem:v4+s30+$0xFFFFFE80 ss:$0x1], $0xffff  }
0xbc: {  	v3 =	vmov s26;
	v10 =	vld.idx.msk [tilespmem:v5+s30+$0xFFFFFF00 ss:$0x1], $0xffff  }
0xbd: {  	v11 =	vld.idx.msk [tilespmem:v4+s30+$0xFFFFFF00 ss:$0x1], $0xffff  }
0xbe: {  	v12 =	vld.idx.msk [tilespmem:v5+s30+$0xFFFFFF80 ss:$0x1], $0xffff  }
0xbf: {  	v13 =	vld.idx.msk [tilespmem:v4+s30+$0xFFFFFF80 ss:$0x1], $0xffff  }
0xc0: {  	v8 =	vsub.f32 v8, v9  }
0xc1: {  	s31 =	simm.s32 $0x10;
	v16 =	vld.idx.msk [tilespmem:v3+s30+$0x0 ss:$0x1], $0xffff  }
0xc2: {  	v14 =	vld.idx.msk [tilespmem:v5+s31+$0xFFFFFE80 ss:$0x1], $0xffff;
	v10 =	vsub.f32 v10, v11;
	v8 =	vand.u32 $0x7FFFFFFF, v8  }
0xc3: {  	v17 =	vld.idx.msk [tilespmem:v5+s31+$0xFFFFFF00 ss:$0x1], $0xffff;
	v6 =	vsub.f32 v6, v7;
	v11 =	vadd.f32 v8, v8  }
0xc4: {  	v18 =	vld.idx.msk [tilespmem:v4+s31+$0xFFFFFF00 ss:$0x1], $0xffff;
	v12 =	vsub.f32 v12, v13;
	v10 =	vand.u32 $0x7FFFFFFF, v10;
	v8 =	vmin.f32 v8, $1.000000000e+00  }
0xc5: {  	v13 =	vld.idx.msk [tilespmem:v4+s31+$0xFFFFFE80 ss:$0x1], $0xffff;
	v15 =	vadd.f32 v10, v10;
	v11 =	vsub.f32 v11, v8  }
0xc6: {  	v9 =	vld.idx.msk [tilespmem:v5+s31+$0x0 ss:$0x1], $0xffff;
	v6 =	vand.u32 $0x7FFFFFFF, v6;
	v12 =	vand.u32 $0x7FFFFFFF, v12;
	v10 =	vmin.f32 v10, $1.000000000e+00  }
0xc7: {  	v7 =	vld.idx.msk [tilespmem:v4+s31+$0x0 ss:$0x1], $0xffff;
	v8 =	vmul.f32 v11, v8;
	v11 =	vsub.f32 v15, v10;
	v15 =	vadd.f32 v12, v12  }
0xc8: {  	v19 =	vld.idx.msk [tilespmem:v5+s31+$0xFFFFFF80 ss:$0x1], $0xffff;
	v20 =	vmin.f32 v6, $1.000000000e+00;
	v6 =	vadd.f32 v6, v6;
	v12 =	vmin.f32 v12, $1.000000000e+00  }
0xc9: {  	v21 =	vld.idx.msk [tilespmem:v4+s31+$0xFFFFFF80 ss:$0x1], $0xffff;
	v8 =	vmul.f32 v8, v16;
	v10 =	vmul.f32 v11, v10;
	v11 =	vsub.f32 v15, v12  }
0xca: {  	v13 =	vsub.f32 v14, v13;
	v14 =	vsub.f32 v6, v20  }
0xcb: {  	s30 =	simm.s32 $0x20;
	v6 =	vld.idx.msk [tilespmem:v3+s31+$0x0 ss:$0x1], $0xffff;
	v8 =	vadd.f32 v8, v2;
	v15 =	vmul.f32 v10, v16;
	v11 =	vmul.f32 v11, v12  }
0xcc: {  	v22 =	vand.u32 $0x7FFFFFFF, v13;
	v2 =	vld.idx.msk [tilespmem:v5+s30+$0x0 ss:$0x1], $0xffff;
	v12 =	vsub.f32 v17, v18;
	v10 =	vsub.f32 v9, v7  }
0xcd: {  	v7 =	vld.idx.msk [tilespmem:v4+s30+$0x0 ss:$0x1], $0xffff;
	v18 =	vmul.f32 v14, v20;
	v15 =	vadd.f32 v15, v8;
	v17 =	vmul.f32 v11, v16  }
0xce: {  	v13 =	vsub.f32 v19, v21;
	v14 =	vadd.f32 v22, v22;
	v9 =	vld.idx.msk [tilespmem:v4+s30+$0xFFFFFE80 ss:$0x1], $0xffff;
	v12 =	vand.u32 $0x7FFFFFFF, v12  }
0xcf: {  	s31 =	simm.s32 $0xC0;
	v8 =	vld.idx.msk [tilespmem:v5+s30+$0xFFFFFE80 ss:$0x1], $0xffff;
	v11 =	vmin.f32 v22, $1.000000000e+00;
	v16 =	vmul.f32 v18, v16;
	v15 =	vadd.f32 v17, v15  }
.LBB2_11:
0xd0: {  	p0 =	sne.s32 s31, $0x1C0;
	v17 =	vld.idx.msk [tilespmem:v5+s30+$0xFFFFFF00 ss:$0x1], $0xffff;
	v14 =	vsub.f32 v14, v11;
	v18 =	vadd.f32 v12, v12;
	v10 =	vand.u32 $0x7FFFFFFF, v10  }
0xd1: {  	v12 =	vmin.f32 v12, $1.000000000e+00;
	v13 =	vand.u32 $0x7FFFFFFF, v13;
	v19 =	vld.idx.msk [tilespmem:v4+s30+$0xFFFFFF00 ss:$0x1], $0xffff;
	v15 =	vadd.f32 v16, v15;
	v16 =	vmovc v6  }
0xd2: {  	v20 =	vld.idx.msk [tilespmem:v5+s30+$0xFFFFFF80 ss:$0x1], $0xffff;
	v6 =	vmul.f32 v14, v11;
	v11 =	vsub.f32 v18, v12;
	v14 =	vadd.f32 v13, v13  }
0xd3: {  	v21 =	vmin.f32 v10, $1.000000000e+00;
	v10 =	vadd.f32 v10, v10;
	v13 =	vmin.f32 v13, $1.000000000e+00;
	v18 =	vld.idx.msk [tilespmem:v4+s30+$0xFFFFFF80 ss:$0x1], $0xffff  }
0xd4: {  	v22 =	vmul.f32 v6, v16;
	v11 =	vmul.f32 v11, v12;
	v12 =	vsub.f32 v14, v13  }
0xd5: {  	v8 =	vsub.f32 v8, v9;
	v9 =	vsub.f32 v10, v21  }
.Ltmp4:
0xd6: {  	v6 =	vld.idx.msk [tilespmem:v3+s30+$0x0 ss:$0x1], $0xffff;
	s30 =	sshra.s32 s31, $0x2;
	v14 =	vadd.f32 v22, v15;
	v11 =	vmul.f32 v11, v16;
	v12 =	vmul.f32 v12, v13;
	(pc) =	sbr.rel @p0 .LBB2_11-.Ltmp4, $4  }
0xd7: {  	v10 =	vsub.f32 v2, v7;
	v15 =	vand.u32 $0x7FFFFFFF, v8;
	v13 =	vsub.f32 v17, v19;
	v2 =	vld.idx.msk [tilespmem:v5+s30+$0x0 ss:$0x1], $0xffff  }
0xd8: {  	v21 =	vmul.f32 v9, v21;
	v7 =	vld.idx.msk [tilespmem:v4+s30+$0x0 ss:$0x1], $0xffff;
	v17 =	vadd.f32 v11, v14;
	v19 =	vmul.f32 v12, v16  }
0xd9: {  	v14 =	vadd.f32 v15, v15;
	v12 =	vand.u32 $0x7FFFFFFF, v13;
	v13 =	vsub.f32 v20, v18;
	v8 =	vld.idx.msk [tilespmem:v5+s30+$0xFFFFFE80 ss:$0x1], $0xffff  }
0xda: {  	s31 =	sadd.s32 $0x40, s31;
	v11 =	vmin.f32 v15, $1.000000000e+00;
	v16 =	vmul.f32 v21, v16;
	v9 =	vld.idx.msk [tilespmem:v4+s30+$0xFFFFFE80 ss:$0x1], $0xffff;
	v15 =	vadd.f32 v19, v17  }
0xdb: {  	_ =	sdelay $0x3  }
0xdc: {  	v18 =	vld.idx.msk [tilespmem:v5+s30+$0xFFFFFF00 ss:$0x1], $0xffff  }
0xdd: {  	v14 =	vsub.f32 v14, v11;
	v17 =	vadd.f32 v12, v12;
	v10 =	vand.u32 $0x7FFFFFFF, v10;
	v41 =	vld.idx.msk [tilespmem:v4+s30+$0xFFFFFF00 ss:$0x1], $0xffff  }
0xde: {  	v40 =	vmin.f32 v12, $1.000000000e+00;
	v13 =	vand.u32 $0x7FFFFFFF, v13;
	v44 =	vld.idx.msk [tilespmem:v5+s30+$0xFFFFFF80 ss:$0x1], $0xffff;
	v15 =	vadd.f32 v16, v15  }
0xdf: {  	v45 =	vld.idx.msk [tilespmem:v4+s30+$0xFFFFFF80 ss:$0x1], $0xffff;
	v43 =	vadd.f32 v13, v13;
	v13 =	vmin.f32 v13, $1.000000000e+00;
	v19 =	vmin.f32 v10, $1.000000000e+00  }
0xe0: {  	v10 =	vadd.f32 v10, v10;
	v11 =	vmul.f32 v14, v11;
	v42 =	vsub.f32 v17, v40  }
0xe1: {  	v2 =	vsub.f32 v2, v7;
	v46 =	vsub.f32 v43, v13  }
0xe2: {  	v47 =	vsub.f32 v10, v19;
	v11 =	vmul.f32 v11, v6;
	v12 =	vmul.f32 v42, v40  }
0xe3: {  	v8 =	vsub.f32 v8, v9;
	v2 =	vand.u32 $0x7FFFFFFF, v2;
	v50 =	vmul.f32 v46, v13  }
0xe4: {  	v51 =	vsub.f32 v18, v41;
	v9 =	vmul.f32 v47, v19;
	v4 =	vsub.f32 v44, v45  }
0xe5: {  	v48 =	vadd.f32 v11, v15;
	v49 =	vmul.f32 v12, v6;
	v8 =	vand.u32 $0x7FFFFFFF, v8  }
0xe6: {  	v53 =	vmul.f32 v50, v6;
	v54 =	vadd.f32 v8, v8;
	v55 =	vand.u32 $0x7FFFFFFF, v51  }
0xe7: {  	v3 =	vld.idx.msk [tilespmem:v3+s30+$0x0 ss:$0x1], $0xffff;
	v56 =	vmin.f32 v8, $1.000000000e+00;
	v57 =	vmul.f32 v9, v6;
	v52 =	vadd.f32 v49, v48  }
0xe8: {  	v4 =	vand.u32 $0x7FFFFFFF, v4;
	v58 =	vadd.f32 v55, v55;
	v8 =	vsub.f32 v54, v56  }
0xe9: {  	v59 =	vmin.f32 v55, $1.000000000e+00;
	v61 =	vadd.f32 v4, v4;
	v4 =	vmin.f32 v4, $1.000000000e+00  }
0xea: {  	v7 =	vadd.f32 v53, v52;
	v60 =	vsub.f32 v58, v59;
	v5 =	vmul.f32 v8, v56  }
0xeb: {  	v62 =	vmin.f32 v2, $1.000000000e+00;
	v2 =	vadd.f32 v2, v2;
	v8 =	vsub.f32 v61, v4  }
0xec: {  	v6 =	vadd.f32 v57, v7;
	v7 =	vmul.f32 v60, v59;
	v5 =	vmul.f32 v5, v3  }
0xed: {  	v2 =	vsub.f32 v2, v62  }
0xee: {  	s25 =	sadd.s32 $0x1, s25;
	v4 =	vmul.f32 v8, v4;
	v63 =	vmul.f32 v7, v3;
	v5 =	vadd.f32 v5, v6  }
0xef: {  	p0 =	sne.s32 s25, $0x24  }
.Ltmp5:
0xf0: {  	v2 =	vmul.f32 v2, v62;
	v4 =	vmul.f32 v4, v3;
	v5 =	vadd.f32 v63, v5;
	(pc) =	sbr.rel @p0 .LBB2_10-.Ltmp5, $3  }
0xf1: {  	_ = 	snop  }
0xf2: {  	v2 =	vmul.f32 v2, v3;
	v4 =	vadd.f32 v4, v5;
	_ =	sdelay $0x1  }
0xf3: {  	s26 =	sadd.s32 $0x80, s26;
	s28 =	sadd.s32 $0x200, s28;
	s29 =	sadd.s32 $0x200, s29;
	v2 =	vadd.f32 v2, v4  }
0xf4: {  	_ =	swait.ge [sflag:s19], $0x4800  }
0xf5: {  	[sflag:s19] =	ssyncset.done $0x0  }
0xf6: {  	[sflag:s19] =	ssyncadd.s32 $0xFFFFB800  }
0xf7: {  	_ =	swait.ge [sflag:s20], $0x4800  }
0xf8: {  	s25 =	simm.s32 $0x0;
	s26 =	simm.s32 $0x4800;
	[sflag:s20] =	ssyncset.done $0x0  }
0xf9: {  	v6 =	vimm.f32 $0.0e+00;
	s28 =	simm.s32 $0xD800;
	s29 =	simm.s32 $0x3600;
	[sflag:s20] =	ssyncadd.s32 $0xFFFFB800  }
.LBB2_14:
0xfa: {  	v5 =	vmov s26  }
0xfb: {  	v4 =	vmov s28;
	_ =	sdelay $0x2  }
0xfc: {  	s30 =	simm.s32 $0x0  }
0xfd: {  	v7 =	vld.idx.msk [tilespmem:v5+s30+$0x4980 ss:$0x1], $0xffff  }
0xfe: {  	v8 =	vld.idx.msk [tilespmem:v4+s30+$0x4980 ss:$0x1], $0xffff  }
0xff: {  	v9 =	vld.idx.msk [tilespmem:v5+s30+$0x4800 ss:$0x1], $0xffff  }
0x100: {  	v10 =	vld.idx.msk [tilespmem:v4+s30+$0x4800 ss:$0x1], $0xffff  }
0x101: {  	v3 =	vmov s29;
	v11 =	vld.idx.msk [tilespmem:v5+s30+$0x4880 ss:$0x1], $0xffff  }
0x102: {  	v12 =	vld.idx.msk [tilespmem:v4+s30+$0x4880 ss:$0x1], $0xffff  }
0x103: {  	v13 =	vld.idx.msk [tilespmem:v5+s30+$0x4900 ss:$0x1], $0xffff  }
0x104: {  	v14 =	vld.idx.msk [tilespmem:v4+s30+$0x4900 ss:$0x1], $0xffff  }
0x105: {  	v9 =	vsub.f32 v9, v10  }
0x106: {  	s31 =	simm.s32 $0x10;
	v17 =	vld.idx.msk [tilespmem:v3+s30+$0x0 ss:$0x1], $0xffff  }
0x107: {  	v15 =	vld.idx.msk [tilespmem:v5+s31+$0x4800 ss:$0x1], $0xffff;
	v11 =	vsub.f32 v11, v12;
	v9 =	vand.u32 $0x7FFFFFFF, v9  }
0x108: {  	v18 =	vld.idx.msk [tilespmem:v5+s31+$0x4880 ss:$0x1], $0xffff;
	v7 =	vsub.f32 v7, v8;
	v12 =	vadd.f32 v9, v9  }
0x109: {  	v19 =	vld.idx.msk [tilespmem:v4+s31+$0x4880 ss:$0x1], $0xffff;
	v13 =	vsub.f32 v13, v14;
	v11 =	vand.u32 $0x7FFFFFFF, v11;
	v9 =	vmin.f32 v9, $1.000000000e+00  }
0x10a: {  	v14 =	vld.idx.msk [tilespmem:v4+s31+$0x4800 ss:$0x1], $0xffff;
	v16 =	vadd.f32 v11, v11;
	v12 =	vsub.f32 v12, v9  }
0x10b: {  	v10 =	vld.idx.msk [tilespmem:v5+s31+$0x4980 ss:$0x1], $0xffff;
	v7 =	vand.u32 $0x7FFFFFFF, v7;
	v13 =	vand.u32 $0x7FFFFFFF, v13;
	v11 =	vmin.f32 v11, $1.000000000e+00  }
0x10c: {  	v8 =	vld.idx.msk [tilespmem:v4+s31+$0x4980 ss:$0x1], $0xffff;
	v9 =	vmul.f32 v12, v9;
	v12 =	vsub.f32 v16, v11;
	v16 =	vadd.f32 v13, v13  }
0x10d: {  	v20 =	vld.idx.msk [tilespmem:v5+s31+$0x4900 ss:$0x1], $0xffff;
	v21 =	vmin.f32 v7, $1.000000000e+00;
	v7 =	vadd.f32 v7, v7;
	v13 =	vmin.f32 v13, $1.000000000e+00  }
0x10e: {  	v22 =	vld.idx.msk [tilespmem:v4+s31+$0x4900 ss:$0x1], $0xffff;
	v9 =	vmul.f32 v9, v17;
	v11 =	vmul.f32 v12, v11;
	v12 =	vsub.f32 v16, v13  }
0x10f: {  	v14 =	vsub.f32 v15, v14;
	v15 =	vsub.f32 v7, v21  }
0x110: {  	s30 =	simm.s32 $0x20;
	v7 =	vld.idx.msk [tilespmem:v3+s31+$0x0 ss:$0x1], $0xffff;
	v9 =	vadd.f32 v9, v6;
	v16 =	vmul.f32 v11, v17;
	v12 =	vmul.f32 v12, v13  }
0x111: {  	v23 =	vand.u32 $0x7FFFFFFF, v14;
	v6 =	vld.idx.msk [tilespmem:v5+s30+$0x4980 ss:$0x1], $0xffff;
	v13 =	vsub.f32 v18, v19;
	v11 =	vsub.f32 v10, v8  }
0x112: {  	v8 =	vld.idx.msk [tilespmem:v4+s30+$0x4980 ss:$0x1], $0xffff;
	v19 =	vmul.f32 v15, v21;
	v16 =	vadd.f32 v16, v9;
	v18 =	vmul.f32 v12, v17  }
0x113: {  	v14 =	vsub.f32 v20, v22;
	v15 =	vadd.f32 v23, v23;
	v10 =	vld.idx.msk [tilespmem:v4+s30+$0x4800 ss:$0x1], $0xffff;
	v13 =	vand.u32 $0x7FFFFFFF, v13  }
0x114: {  	s31 =	simm.s32 $0xC0;
	v9 =	vld.idx.msk [tilespmem:v5+s30+$0x4800 ss:$0x1], $0xffff;
	v12 =	vmin.f32 v23, $1.000000000e+00;
	v17 =	vmul.f32 v19, v17;
	v16 =	vadd.f32 v18, v16  }
.LBB2_15:
0x115: {  	p0 =	sne.s32 s31, $0x1C0;
	v18 =	vld.idx.msk [tilespmem:v5+s30+$0x4880 ss:$0x1], $0xffff;
	v15 =	vsub.f32 v15, v12;
	v19 =	vadd.f32 v13, v13;
	v11 =	vand.u32 $0x7FFFFFFF, v11  }
0x116: {  	v13 =	vmin.f32 v13, $1.000000000e+00;
	v14 =	vand.u32 $0x7FFFFFFF, v14;
	v20 =	vld.idx.msk [tilespmem:v4+s30+$0x4880 ss:$0x1], $0xffff;
	v16 =	vadd.f32 v17, v16;
	v17 =	vmovc v7  }
0x117: {  	v21 =	vld.idx.msk [tilespmem:v5+s30+$0x4900 ss:$0x1], $0xffff;
	v7 =	vmul.f32 v15, v12;
	v12 =	vsub.f32 v19, v13;
	v15 =	vadd.f32 v14, v14  }
0x118: {  	v22 =	vmin.f32 v11, $1.000000000e+00;
	v11 =	vadd.f32 v11, v11;
	v14 =	vmin.f32 v14, $1.000000000e+00;
	v19 =	vld.idx.msk [tilespmem:v4+s30+$0x4900 ss:$0x1], $0xffff  }
0x119: {  	v23 =	vmul.f32 v7, v17;
	v12 =	vmul.f32 v12, v13;
	v13 =	vsub.f32 v15, v14  }
0x11a: {  	v9 =	vsub.f32 v9, v10;
	v10 =	vsub.f32 v11, v22  }
.Ltmp6:
0x11b: {  	v7 =	vld.idx.msk [tilespmem:v3+s30+$0x0 ss:$0x1], $0xffff;
	s30 =	sshra.s32 s31, $0x2;
	v15 =	vadd.f32 v23, v16;
	v12 =	vmul.f32 v12, v17;
	v13 =	vmul.f32 v13, v14;
	(pc) =	sbr.rel @p0 .LBB2_15-.Ltmp6, $4  }
0x11c: {  	v11 =	vsub.f32 v6, v8;
	v16 =	vand.u32 $0x7FFFFFFF, v9;
	v14 =	vsub.f32 v18, v20;
	v6 =	vld.idx.msk [tilespmem:v5+s30+$0x4980 ss:$0x1], $0xffff  }
0x11d: {  	v22 =	vmul.f32 v10, v22;
	v8 =	vld.idx.msk [tilespmem:v4+s30+$0x4980 ss:$0x1], $0xffff;
	v18 =	vadd.f32 v12, v15;
	v20 =	vmul.f32 v13, v17  }
0x11e: {  	v15 =	vadd.f32 v16, v16;
	v13 =	vand.u32 $0x7FFFFFFF, v14;
	v14 =	vsub.f32 v21, v19;
	v9 =	vld.idx.msk [tilespmem:v5+s30+$0x4800 ss:$0x1], $0xffff  }
0x11f: {  	s31 =	sadd.s32 $0x40, s31;
	v12 =	vmin.f32 v16, $1.000000000e+00;
	v17 =	vmul.f32 v22, v17;
	v10 =	vld.idx.msk [tilespmem:v4+s30+$0x4800 ss:$0x1], $0xffff;
	v16 =	vadd.f32 v20, v18  }
0x120: {  	_ =	sdelay $0x3  }
0x121: {  	v15 =	vsub.f32 v15, v12;
	v18 =	vadd.f32 v13, v13;
	v11 =	vand.u32 $0x7FFFFFFF, v11;
	v19 =	vld.idx.msk [tilespmem:v5+s30+$0x4880 ss:$0x1], $0xffff  }
0x122: {  	v47 =	vmin.f32 v13, $1.000000000e+00;
	v14 =	vand.u32 $0x7FFFFFFF, v14;
	v48 =	vld.idx.msk [tilespmem:v4+s30+$0x4880 ss:$0x1], $0xffff;
	v16 =	vadd.f32 v17, v16  }
0x123: {  	v5 =	vld.idx.msk [tilespmem:v5+s30+$0x4900 ss:$0x1], $0xffff;
	v50 =	vadd.f32 v14, v14;
	v14 =	vmin.f32 v14, $1.000000000e+00;
	v20 =	vmin.f32 v11, $1.000000000e+00  }
0x124: {  	v4 =	vld.idx.msk [tilespmem:v4+s30+$0x4900 ss:$0x1], $0xffff;
	v11 =	vadd.f32 v11, v11;
	v12 =	vmul.f32 v15, v12;
	v49 =	vsub.f32 v18, v47  }
0x125: {  	v6 =	vsub.f32 v6, v8;
	v51 =	vsub.f32 v50, v14  }
0x126: {  	v52 =	vsub.f32 v11, v20;
	v12 =	vmul.f32 v12, v7;
	v13 =	vmul.f32 v49, v47  }
0x127: {  	v9 =	vsub.f32 v9, v10;
	v55 =	vmul.f32 v51, v14;
	v56 =	vsub.f32 v19, v48  }
0x128: {  	v10 =	vmul.f32 v52, v20;
	v53 =	vadd.f32 v12, v16;
	v54 =	vmul.f32 v13, v7  }
0x129: {  	v4 =	vsub.f32 v5, v4;
	v9 =	vand.u32 $0x7FFFFFFF, v9;
	v57 =	vmul.f32 v55, v7  }
0x12a: {  	v58 =	vadd.f32 v9, v9;
	v59 =	vand.u32 $0x7FFFFFFF, v56;
	v8 =	vadd.f32 v54, v53  }
0x12b: {  	v3 =	vld.idx.msk [tilespmem:v3+s30+$0x0 ss:$0x1], $0xffff;
	v5 =	vmin.f32 v9, $1.000000000e+00;
	v7 =	vmul.f32 v10, v7;
	v60 =	vadd.f32 v59, v59  }
0x12c: {  	v4 =	vand.u32 $0x7FFFFFFF, v4;
	v9 =	vsub.f32 v58, v5;
	v8 =	vadd.f32 v57, v8  }
0x12d: {  	v6 =	vand.u32 $0x7FFFFFFF, v6;
	v61 =	vmin.f32 v59, $1.000000000e+00;
	v62 =	vadd.f32 v4, v4  }
0x12e: {  	v5 =	vmul.f32 v9, v5;
	v7 =	vadd.f32 v7, v8;
	v8 =	vsub.f32 v60, v61  }
0x12f: {  	v63 =	vmin.f32 v6, $1.000000000e+00;
	v6 =	vadd.f32 v6, v6;
	v4 =	vmin.f32 v4, $1.000000000e+00  }
0x130: {  	v9 =	vsub.f32 v62, v4;
	v5 =	vmul.f32 v5, v3;
	v8 =	vmul.f32 v8, v61  }
0x131: {  	v6 =	vsub.f32 v6, v63  }
0x132: {  	s25 =	sadd.s32 $0x1, s25;
	v4 =	vmul.f32 v9, v4;
	v5 =	vadd.f32 v5, v7;
	v7 =	vmul.f32 v8, v3  }
0x133: {  	p0 =	sne.s32 s25, $0x24  }
.Ltmp7:
0x134: {  	v6 =	vmul.f32 v6, v63;
	v4 =	vmul.f32 v4, v3;
	v5 =	vadd.f32 v7, v5;
	(pc) =	sbr.rel @p0 .LBB2_14-.Ltmp7, $3  }
0x135: {  	_ = 	snop  }
0x136: {  	v3 =	vmul.f32 v6, v3;
	v4 =	vadd.f32 v4, v5;
	_ =	sdelay $0x1  }
0x137: {  	s26 =	sadd.s32 $0x200, s26;
	s28 =	sadd.s32 $0x200, s28;
	s29 =	sadd.s32 $0x80, s29;
	v6 =	vadd.f32 v3, v4  }
0x138: {  	v0 =	vadd.f32 $0.0e+00, v0;
	_ =	sdelay $0x1  }
0x139: {  	v0 =	vadd.f32 v1, v0;
	_ =	sdelay $0x1  }
0x13a: {  	v0 =	vadd.f32 v2, v0;
	_ =	sdelay $0x1  }
0x13b: {  	s24 =	sadd.s32 $0x1, s24;
	v0 =	vadd.f32 v6, v0  }
0x13c: {  	p0 =	sne.s32 s24, s13  }
.Ltmp8:
0x13d: {  	[tilespmem:$0x16800] =	vst v0;
	(pc) =	sbr.rel @p0 .LBB2_1-.Ltmp8, $4  }
0x13e: {  	[hbm4b:s12+s2] =	stream.linear.scatter [tilespmem:s23], [sflag:$0x3], $0x80, $0x38;
	[tilespmem:$0x16880] =	vst v63  }
0x13f: {  	_ =	swait.ge [sflag:s16], $0x80  }
0x140: {  	[sflag:s16] =	ssyncset.done $0x0  }
0x141: {  	[sflag:s16] =	ssyncadd.s32 $0xFFFFFF80  }
0x142: {  	_ =	sfence.sel $0x180000  }
0x143: {  	[bflag:$0x0] =	sbarrier.arrive $0xFFFF  }
0x144: {  	p0 =	sne.s32 s1, $0x0;
	_ =	strace $0x90000047  }
0x145: {  	s0 =	sadd.s32 @!p0 $0x100000, s0;
	[bflag:$0x2] =	sbarrier.arrive $0xFFFF  }
0x146: {  	[sflag:s0] =	ssyncadd.tile.s32 @!p0 $0x1;
	_ =	shalt  }
.Lfunc_end2:
_tile_overlayer_lowered:
.L_overlay_start_2:
0x147: {  	(tag) =	ssettag $0x2  }
0x148: {  	s0 =	rddreg [dreg:$0x0];
	s2 =	stileid.u32  }
0x149: {  	s1 =	rddreg [dreg:$0x1];
	p0 =	sne.s32 s2, $0x0  }
0x14a: {  	s3 =	rddreg [dreg:$0x2];
	[bflag:$0x3] =	sbarrier.arrive $0xFFFF;
	s2 =	simm.s32 @!p0 $0x1C03  }
0x14b: {  	[timem:s3], [sflag:s2] =	dma.local @!p0 [hbm:s0], s1  }
0x14c: {  	s0 =	simm.s32 @!p0 $0x3  }
0x14d: {  	_ =	swait.ge @!p0 [sflag:s0], s1  }
0x14e: {  	s1 =	ssub.s32 @!p0 $0x0, s1;
	[sflag:s0] =	ssyncset.done @!p0 $0x0  }
0x14f: {  	[sflag:s0] =	ssyncadd.s32 @!p0 s1  }
0x150: {  	[bflag:$0x3] =	sbarrier.arrive $0xFFFF  }
0x151: {  	_ =	shalt  }

</sc_bundles>
